<compile_context>
chip_gen: v7x
topology: tpu7x:2x2x1
jax: 0.10.2.dev20260603
libtpu: 0.0.44.dev20260713+nightly
codegen_flags: <defaults>
</compile_context>

<pallas_src>
import functools

import jax
import jax.numpy as jnp
from jax import lax
from jax.experimental import pallas as pl
from jax.experimental.pallas import tpu as pltpu
from jax.experimental.pallas import tpu_sc as plsc

N_USERS = 100000
M_ITEMS = 100000
DIM = 64
BATCH = 4096
K = 8
DECAY = 0.0001

NUM_WORKERS = 32
BPW = BATCH // NUM_WORKERS
LANES = 16

@functools.cache
def _make_sc_kernel():
  mesh = plsc.VectorSubcoreMesh(core_axis_name="c", subcore_axis_name="s")

  @functools.partial(
      pl.kernel,
      mesh=mesh,
      compiler_params=pltpu.CompilerParams(needs_layout_passes=False,
                                           use_tc_tiling_on_sc=False),
      out_type=[
          jax.ShapeDtypeStruct((BATCH * K,), jnp.float32),
          jax.ShapeDtypeStruct((NUM_WORKERS * 48,), jnp.float32),
      ],
      scratch_types=[
          pltpu.VMEM((BPW,), jnp.int32),
          pltpu.VMEM((BPW,), jnp.int32),
          pltpu.VMEM((K, BPW), jnp.int32),
          pltpu.VMEM((BPW, DIM), jnp.float32),
          pltpu.VMEM((BPW, DIM), jnp.float32),
          pltpu.VMEM((BPW * K, DIM), jnp.float32),
          pltpu.VMEM((BPW * K,), jnp.float32),
          pltpu.VMEM((48,), jnp.float32),
          pltpu.SemaphoreType.DMA,
      ],
  )
  def _sc_gather_score(users_hbm, pos_hbm, neg_hbm, utab_hbm, itab_hbm,
                       pn_hbm, norms_hbm,
                       uidx_v, pidx_v, nidx_v, urows_v, prows_v, nrows_v,
                       pn_v, nrm_v, sem):
    wid = lax.axis_index("s") * 2 + lax.axis_index("c")
    base = wid * BPW

    pltpu.sync_copy(users_hbm.at[pl.ds(base, BPW)], uidx_v)
    pltpu.sync_copy(pos_hbm.at[pl.ds(base, BPW)], pidx_v)
    pltpu.sync_copy(neg_hbm.at[wid], nidx_v)

    copies = [
        pltpu.async_copy(utab_hbm.at[uidx_v], urows_v, sem),
        pltpu.async_copy(itab_hbm.at[pidx_v], prows_v, sem),
    ]
    for j in range(K):
      copies.append(
          pltpu.async_copy(itab_hbm.at[nidx_v.at[j]],
                           nrows_v.at[pl.ds(j * BPW, BPW)], sem))
    for c in copies:
      c.wait()

    zero = jnp.zeros((LANES,), jnp.float32)
    nchunks = DIM // LANES
    iota = lax.iota(jnp.int32, LANES)
    lane15 = iota == 15
    def row_step(b, carry):
      su, sp, sn = carry
      uc = [urows_v[b, pl.ds(c * LANES, LANES)] for c in range(nchunks)]
      pc = [prows_v[b, pl.ds(c * LANES, LANES)] for c in range(nchunks)]
      for c in range(nchunks):
        su = su + uc[c] * uc[c]
        sp = sp + pc[c] * pc[c]
      for k in range(K):
        nb = b * K + k
        nc = [nrows_v[nb, pl.ds(c * LANES, LANES)] for c in range(nchunks)]
        for c in range(nchunks):
          sn = sn + nc[c] * nc[c]
        wd = uc[0] * (pc[0] - nc[0])
        for c in range(1, nchunks):
          wd = wd + uc[c] * (pc[c] - nc[c])
        plsc.store_scatter(pn_v, [iota + (nb - 15)], plsc.cumsum(wd),
                           mask=lane15)
      return su, sp, sn

    s_u, s_p, s_n = lax.fori_loop(0, BPW, row_step, (zero, zero, zero))

    nrm_v[pl.ds(0, LANES)] = s_u
    nrm_v[pl.ds(LANES, LANES)] = s_p
    nrm_v[pl.ds(2 * LANES, LANES)] = s_n * (1.0 / K)

    pltpu.sync_copy(pn_v, pn_hbm.at[pl.ds(base * K, BPW * K)])
    pltpu.sync_copy(nrm_v, norms_hbm.at[pl.ds(wid * 48, 48)])

  return _sc_gather_score


def _tc_loss_body(pn_ref, nrm_ref, mf_ref, emb_ref, tot_ref):
  x = -pn_ref[...]
  sp = jnp.maximum(x, 0.0) + jnp.log1p(jnp.exp(-jnp.abs(x)))
  mf = jnp.sum(sp) * (1.0 / (BATCH * K))
  reg = jnp.sum(nrm_ref[...]) * 0.5
  emb = (DECAY / BATCH) * reg
  one = jnp.ones((1, 1), jnp.float32)
  mf_ref[...] = mf * one
  emb_ref[...] = emb * one
  tot_ref[...] = (mf + emb) * one


def kernel(user_table, item_table, users, pos_items, neg_items):
  users_i = users.astype(jnp.int32)
  pos_i = pos_items.astype(jnp.int32)
  neg_i = neg_items.astype(jnp.int32).reshape(NUM_WORKERS, K, BPW)

  pn_flat, norms = _make_sc_kernel()(users_i, pos_i, neg_i,
                                     user_table, item_table)
  pos_neg = pn_flat.reshape(BATCH, K)

  mf, emb, tot = pl.pallas_call(
      _tc_loss_body,
      out_shape=[jax.ShapeDtypeStruct((1, 1), jnp.float32)] * 3,
  )(pn_flat, norms)

  return (tot.reshape(()), mf.reshape(()), emb.reshape(()), pos_neg)

# --- scband reference (transcript-rebuilt; emitter-appended) ---
"""Pipeline reference for scband-pure-mf-7584912245208 (READ-ONLY COPY).

The authoritative reference and input builder live on the scoring server;
editing this copy changes nothing except your own understanding.
"""

import jax, jax.numpy as jnp
import numpy as np

N_USERS = 100000
M_ITEMS = 100000
DIM = 64
BATCH = 4096
K = 8
DECAY = 0.0001

def setup_inputs(seed: int = 0) -> dict:
    key = jax.random.key(seed)
    k1, k2, k3, k4, k5 = jax.random.split(key, 5)
    users = jax.random.randint(k1, (BATCH,), 0, N_USERS, dtype=jnp.int64 if jax.config.read('jax_enable_x64') else jnp.int32)
    pos_items = jax.random.randint(k2, (BATCH,), 0, M_ITEMS, dtype=users.dtype)
    neg_items = jax.random.randint(k3, (BATCH, K), 0, M_ITEMS, dtype=users.dtype)
    # learned parameters: N(0,1) init as in PureMF.__init_weight (torch nn.Embedding default)
    user_table = jax.random.normal(k4, (N_USERS, DIM), dtype=jnp.float32)
    item_table = jax.random.normal(k5, (M_ITEMS, DIM), dtype=jnp.float32)
    return {"user_table": user_table, "item_table": item_table, "users": users, "pos_items": pos_items, "neg_items": neg_items}

def reference(user_table, item_table, users, pos_items, neg_items):
    # PureMF.forward with ns='rns', loss='bpr'
    u_e = jnp.take(user_table, users, axis=0)                 # [B, D]
    pos_e = jnp.take(item_table, pos_items, axis=0)           # [B, D]
    neg_e = jnp.take(item_table, neg_items[:, :K], axis=0)    # [B, K, D]
    pos_scores = jnp.sum(u_e * pos_e, axis=1)                 # [B]
    neg_scores = jnp.sum(u_e[:, None, :] * neg_e, axis=-1)    # [B, K]
    pos_neg = pos_scores[:, None] - neg_scores                # [B, K]
    mf_loss = jnp.mean(jnp.log(1.0 + jnp.exp(neg_scores - pos_scores[:, None])))
    regularize = (jnp.linalg.norm(u_e) ** 2 + jnp.linalg.norm(pos_e) ** 2 + jnp.linalg.norm(neg_e) ** 2 / K) / 2.0
    emb_loss = DECAY * regularize / u_e.shape[0]
    return (mf_loss + emb_loss, mf_loss, emb_loss, pos_neg)

if __name__ == "__main__":
    import jax
    _d = setup_inputs()
    print(jax.jit(kernel)(*tuple(_d.values())))

</pallas_src>

<mosaic_0001>
#map = affine_map<(d0, d1) -> (0)>
#map1 = affine_map<(d0, d1) -> (0, 0, 0)>
#map2 = affine_map<(d0, d1) -> (0, 0)>
module attributes {stable_mosaic.version = 14 : i64} {
  func.func @_sc_gather_score(%arg0: i32, %arg1: i32, %arg2: memref<4096xi32, #tpu.memory_space<hbm>>, %arg3: memref<4096xi32, #tpu.memory_space<hbm>>, %arg4: memref<32x8x128xi32, #tpu.memory_space<hbm>>, %arg5: memref<100000x64xf32, #tpu.memory_space<hbm>>, %arg6: memref<100000x64xf32, #tpu.memory_space<hbm>>, %arg7: memref<32768xf32, #tpu.memory_space<hbm>>, %arg8: memref<1536xf32, #tpu.memory_space<hbm>>, %arg9: memref<128xi32, #tpu.memory_space<vmem>>, %arg10: memref<128xi32, #tpu.memory_space<vmem>>, %arg11: memref<8x128xi32, #tpu.memory_space<vmem>>, %arg12: memref<128x64xf32, #tpu.memory_space<vmem>>, %arg13: memref<128x64xf32, #tpu.memory_space<vmem>>, %arg14: memref<1024x64xf32, #tpu.memory_space<vmem>>, %arg15: memref<1024xf32, #tpu.memory_space<vmem>>, %arg16: memref<48xf32, #tpu.memory_space<vmem>>, %arg17: memref<!tpu.dma_semaphore, #tpu.memory_space<semaphore_mem>>) attributes {dimension_semantics = [#tpu.dimension_semantics<core_parallel>, #tpu.dimension_semantics<subcore_parallel>], iteration_bounds = array<i64: 2, 16>, scalar_prefetch = 0 : i64, scratch_operands = 9 : i64, tpu.core_type = #tpu.core_type<sc_vector_subcore>, window_params = [{transform_indices = #map}, {transform_indices = #map}, {transform_indices = #map1}, {transform_indices = #map2}, {transform_indices = #map2}, {transform_indices = #map}, {transform_indices = #map}]} {
    %mul3A = arith.constant 2 : i32
    %mul3A_0 = arith.muli %arg1, %mul3A : i32
    %add3A = arith.addi %mul3A_0, %arg0 : i32
    %mul3A_1 = arith.constant 128 : i32
    %mul3A_2 = arith.muli %add3A, %mul3A_1 : i32
    "tpu.region"() ({
      %run_scoped3A = tpu.sem_alloc : memref<!tpu.dma_semaphore, #tpu.memory_space<semaphore_mem>>
      %dma_start3A_193 = tpu.memref_slice %arg2[%mul3A_2] : memref<4096xi32, #tpu.memory_space<hbm>> -> memref<128xi32, #tpu.memory_space<hbm>>
      %dma_start3A_194 = tpu.memref_slice %arg2[%mul3A_2] : memref<4096xi32, #tpu.memory_space<hbm>> -> memref<128xi32, #tpu.memory_space<hbm>>
      tpu.enqueue_dma source(%dma_start3A_194 : memref<128xi32, #tpu.memory_space<hbm>>) target(%arg9 : memref<128xi32, #tpu.memory_space<vmem>>) target_semaphore(%run_scoped3A : memref<!tpu.dma_semaphore, #tpu.memory_space<semaphore_mem>>)
      %dma_wait3A_195 = tpu.memref_slice %arg2[%mul3A_2] : memref<4096xi32, #tpu.memory_space<hbm>> -> memref<128xi32, #tpu.memory_space<hbm>>
      %dma_wait3A_196 = tpu.memref_slice %arg2[%mul3A_2] : memref<4096xi32, #tpu.memory_space<hbm>> -> memref<128xi32, #tpu.memory_space<hbm>>
      tpu.wait_dma2 semaphore(%run_scoped3A : memref<!tpu.dma_semaphore, #tpu.memory_space<semaphore_mem>>) src(%dma_wait3A_196 : memref<128xi32, #tpu.memory_space<hbm>>) dst(%arg9 : memref<128xi32, #tpu.memory_space<vmem>>)
      tpu.yield
    }) : () -> ()
    "tpu.region"() ({
      %run_scoped3A = tpu.sem_alloc : memref<!tpu.dma_semaphore, #tpu.memory_space<semaphore_mem>>
      %dma_start3A_193 = tpu.memref_slice %arg3[%mul3A_2] : memref<4096xi32, #tpu.memory_space<hbm>> -> memref<128xi32, #tpu.memory_space<hbm>>
      %dma_start3A_194 = tpu.memref_slice %arg3[%mul3A_2] : memref<4096xi32, #tpu.memory_space<hbm>> -> memref<128xi32, #tpu.memory_space<hbm>>
      tpu.enqueue_dma source(%dma_start3A_194 : memref<128xi32, #tpu.memory_space<hbm>>) target(%arg10 : memref<128xi32, #tpu.memory_space<vmem>>) target_semaphore(%run_scoped3A : memref<!tpu.dma_semaphore, #tpu.memory_space<semaphore_mem>>)
      %dma_wait3A_195 = tpu.memref_slice %arg3[%mul3A_2] : memref<4096xi32, #tpu.memory_space<hbm>> -> memref<128xi32, #tpu.memory_space<hbm>>
      %dma_wait3A_196 = tpu.memref_slice %arg3[%mul3A_2] : memref<4096xi32, #tpu.memory_space<hbm>> -> memref<128xi32, #tpu.memory_space<hbm>>
      tpu.wait_dma2 semaphore(%run_scoped3A : memref<!tpu.dma_semaphore, #tpu.memory_space<semaphore_mem>>) src(%dma_wait3A_196 : memref<128xi32, #tpu.memory_space<hbm>>) dst(%arg10 : memref<128xi32, #tpu.memory_space<vmem>>)
      tpu.yield
    }) : () -> ()
    "tpu.region"() ({
      %run_scoped3A = tpu.sem_alloc : memref<!tpu.dma_semaphore, #tpu.memory_space<semaphore_mem>>
      %dma_start3A_193 = arith.constant 0 : i32
      %dma_start3A_194 = arith.constant 0 : i32
      %dma_start3A_195 = tpu.memref_slice %arg4[%add3A, %dma_start3A_193, %dma_start3A_194] : memref<32x8x128xi32, #tpu.memory_space<hbm>> -> memref<1x8x128xi32, #tpu.memory_space<hbm>>
      %dma_start3A_196 = tpu.memref_squeeze %dma_start3A_195 : memref<1x8x128xi32, #tpu.memory_space<hbm>> -> memref<8x128xi32, #tpu.memory_space<hbm>>
      %dma_start3A_197 = arith.constant 0 : i32
      %dma_start3A_198 = arith.constant 0 : i32
      %dma_start3A_199 = tpu.memref_slice %arg4[%add3A, %dma_start3A_197, %dma_start3A_198] : memref<32x8x128xi32, #tpu.memory_space<hbm>> -> memref<1x8x128xi32, #tpu.memory_space<hbm>>
      %dma_start3A_200 = tpu.memref_squeeze %dma_start3A_199 : memref<1x8x128xi32, #tpu.memory_space<hbm>> -> memref<8x128xi32, #tpu.memory_space<hbm>>
      tpu.enqueue_dma source(%dma_start3A_200 : memref<8x128xi32, #tpu.memory_space<hbm>>) target(%arg11 : memref<8x128xi32, #tpu.memory_space<vmem>>) target_semaphore(%run_scoped3A : memref<!tpu.dma_semaphore, #tpu.memory_space<semaphore_mem>>)
      %dma_wait3A_201 = arith.constant 0 : i32
      %dma_wait3A_202 = arith.constant 0 : i32
      %dma_wait3A_203 = tpu.memref_slice %arg4[%add3A, %dma_wait3A_201, %dma_wait3A_202] : memref<32x8x128xi32, #tpu.memory_space<hbm>> -> memref<1x8x128xi32, #tpu.memory_space<hbm>>
      %dma_wait3A_204 = tpu.memref_squeeze %dma_wait3A_203 : memref<1x8x128xi32, #tpu.memory_space<hbm>> -> memref<8x128xi32, #tpu.memory_space<hbm>>
      %dma_wait3A_205 = arith.constant 0 : i32
      %dma_wait3A_206 = arith.constant 0 : i32
      %dma_wait3A_207 = tpu.memref_slice %arg4[%add3A, %dma_wait3A_205, %dma_wait3A_206] : memref<32x8x128xi32, #tpu.memory_space<hbm>> -> memref<1x8x128xi32, #tpu.memory_space<hbm>>
      %dma_wait3A_208 = tpu.memref_squeeze %dma_wait3A_207 : memref<1x8x128xi32, #tpu.memory_space<hbm>> -> memref<8x128xi32, #tpu.memory_space<hbm>>
      tpu.wait_dma2 semaphore(%run_scoped3A : memref<!tpu.dma_semaphore, #tpu.memory_space<semaphore_mem>>) src(%dma_wait3A_208 : memref<8x128xi32, #tpu.memory_space<hbm>>) dst(%arg11 : memref<8x128xi32, #tpu.memory_space<vmem>>)
      tpu.yield
    }) : () -> ()
    %dma_start3A = arith.constant 0 : i32
    %dma_start3A_3 = arith.constant 0 : i32
    %dma_start3A_4 = tpu.memref_slice %arg5[%dma_start3A, %dma_start3A_3] : memref<100000x64xf32, #tpu.memory_space<hbm>> -> memref<100000x64xf32, #tpu.memory_space<hbm>>
    tpu.enqueue_indirect_dma source(%dma_start3A_4 : memref<100000x64xf32, #tpu.memory_space<hbm>>) target(%arg12 : memref<128x64xf32, #tpu.memory_space<vmem>>) offsets(%arg9 : memref<128xi32, #tpu.memory_space<vmem>>) semaphore(%arg17 : memref<!tpu.dma_semaphore, #tpu.memory_space<semaphore_mem>>)
    %dma_start3A_5 = arith.constant 0 : i32
    %dma_start3A_6 = arith.constant 0 : i32
    %dma_start3A_7 = tpu.memref_slice %arg6[%dma_start3A_5, %dma_start3A_6] : memref<100000x64xf32, #tpu.memory_space<hbm>> -> memref<100000x64xf32, #tpu.memory_space<hbm>>
    tpu.enqueue_indirect_dma source(%dma_start3A_7 : memref<100000x64xf32, #tpu.memory_space<hbm>>) target(%arg13 : memref<128x64xf32, #tpu.memory_space<vmem>>) offsets(%arg10 : memref<128xi32, #tpu.memory_space<vmem>>) semaphore(%arg17 : memref<!tpu.dma_semaphore, #tpu.memory_space<semaphore_mem>>)
    %dma_start3A_8 = arith.constant 0 : i32
    %dma_start3A_9 = arith.constant 0 : i32
    %dma_start3A_10 = arith.constant 0 : i32
    %dma_start3A_11 = tpu.memref_slice %arg14[%dma_start3A_9, %dma_start3A_10] : memref<1024x64xf32, #tpu.memory_space<vmem>> -> memref<128x64xf32, #tpu.memory_space<vmem>>
    %dma_start3A_12 = arith.constant 0 : i32
    %dma_start3A_13 = tpu.memref_slice %arg11[%dma_start3A_8, %dma_start3A_12] : memref<8x128xi32, #tpu.memory_space<vmem>> -> memref<1x128xi32, #tpu.memory_space<vmem>>
    %dma_start3A_14 = tpu.memref_squeeze %dma_start3A_13 : memref<1x128xi32, #tpu.memory_space<vmem>> -> memref<128xi32, #tpu.memory_space<vmem>>
    %dma_start3A_15 = arith.constant 0 : i32
    %dma_start3A_16 = arith.constant 0 : i32
    %dma_start3A_17 = tpu.memref_slice %arg6[%dma_start3A_15, %dma_start3A_16] : memref<100000x64xf32, #tpu.memory_space<hbm>> -> memref<100000x64xf32, #tpu.memory_space<hbm>>
    tpu.enqueue_indirect_dma source(%dma_start3A_17 : memref<100000x64xf32, #tpu.memory_space<hbm>>) target(%dma_start3A_11 : memref<128x64xf32, #tpu.memory_space<vmem>>) offsets(%dma_start3A_14 : memref<128xi32, #tpu.memory_space<vmem>>) semaphore(%arg17 : memref<!tpu.dma_semaphore, #tpu.memory_space<semaphore_mem>>)
    %dma_start3A_18 = arith.constant 1 : i32
    %dma_start3A_19 = arith.constant 128 : i32
    %dma_start3A_20 = arith.constant 0 : i32
    %dma_start3A_21 = tpu.memref_slice %arg14[%dma_start3A_19, %dma_start3A_20] : memref<1024x64xf32, #tpu.memory_space<vmem>> -> memref<128x64xf32, #tpu.memory_space<vmem>>
    %dma_start3A_22 = arith.constant 0 : i32
    %dma_start3A_23 = tpu.memref_slice %arg11[%dma_start3A_18, %dma_start3A_22] : memref<8x128xi32, #tpu.memory_space<vmem>> -> memref<1x128xi32, #tpu.memory_space<vmem>>
    %dma_start3A_24 = tpu.memref_squeeze %dma_start3A_23 : memref<1x128xi32, #tpu.memory_space<vmem>> -> memref<128xi32, #tpu.memory_space<vmem>>
    %dma_start3A_25 = arith.constant 0 : i32
    %dma_start3A_26 = arith.constant 0 : i32
    %dma_start3A_27 = tpu.memref_slice %arg6[%dma_start3A_25, %dma_start3A_26] : memref<100000x64xf32, #tpu.memory_space<hbm>> -> memref<100000x64xf32, #tpu.memory_space<hbm>>
    tpu.enqueue_indirect_dma source(%dma_start3A_27 : memref<100000x64xf32, #tpu.memory_space<hbm>>) target(%dma_start3A_21 : memref<128x64xf32, #tpu.memory_space<vmem>>) offsets(%dma_start3A_24 : memref<128xi32, #tpu.memory_space<vmem>>) semaphore(%arg17 : memref<!tpu.dma_semaphore, #tpu.memory_space<semaphore_mem>>)
    %dma_start3A_28 = arith.constant 2 : i32
    %dma_start3A_29 = arith.constant 256 : i32
    %dma_start3A_30 = arith.constant 0 : i32
    %dma_start3A_31 = tpu.memref_slice %arg14[%dma_start3A_29, %dma_start3A_30] : memref<1024x64xf32, #tpu.memory_space<vmem>> -> memref<128x64xf32, #tpu.memory_space<vmem>>
    %dma_start3A_32 = arith.constant 0 : i32
    %dma_start3A_33 = tpu.memref_slice %arg11[%dma_start3A_28, %dma_start3A_32] : memref<8x128xi32, #tpu.memory_space<vmem>> -> memref<1x128xi32, #tpu.memory_space<vmem>>
    %dma_start3A_34 = tpu.memref_squeeze %dma_start3A_33 : memref<1x128xi32, #tpu.memory_space<vmem>> -> memref<128xi32, #tpu.memory_space<vmem>>
    %dma_start3A_35 = arith.constant 0 : i32
    %dma_start3A_36 = arith.constant 0 : i32
    %dma_start3A_37 = tpu.memref_slice %arg6[%dma_start3A_35, %dma_start3A_36] : memref<100000x64xf32, #tpu.memory_space<hbm>> -> memref<100000x64xf32, #tpu.memory_space<hbm>>
    tpu.enqueue_indirect_dma source(%dma_start3A_37 : memref<100000x64xf32, #tpu.memory_space<hbm>>) target(%dma_start3A_31 : memref<128x64xf32, #tpu.memory_space<vmem>>) offsets(%dma_start3A_34 : memref<128xi32, #tpu.memory_space<vmem>>) semaphore(%arg17 : memref<!tpu.dma_semaphore, #tpu.memory_space<semaphore_mem>>)
    %dma_start3A_38 = arith.constant 3 : i32
    %dma_start3A_39 = arith.constant 384 : i32
    %dma_start3A_40 = arith.constant 0 : i32
    %dma_start3A_41 = tpu.memref_slice %arg14[%dma_start3A_39, %dma_start3A_40] : memref<1024x64xf32, #tpu.memory_space<vmem>> -> memref<128x64xf32, #tpu.memory_space<vmem>>
    %dma_start3A_42 = arith.constant 0 : i32
    %dma_start3A_43 = tpu.memref_slice %arg11[%dma_start3A_38, %dma_start3A_42] : memref<8x128xi32, #tpu.memory_space<vmem>> -> memref<1x128xi32, #tpu.memory_space<vmem>>
    %dma_start3A_44 = tpu.memref_squeeze %dma_start3A_43 : memref<1x128xi32, #tpu.memory_space<vmem>> -> memref<128xi32, #tpu.memory_space<vmem>>
    %dma_start3A_45 = arith.constant 0 : i32
    %dma_start3A_46 = arith.constant 0 : i32
    %dma_start3A_47 = tpu.memref_slice %arg6[%dma_start3A_45, %dma_start3A_46] : memref<100000x64xf32, #tpu.memory_space<hbm>> -> memref<100000x64xf32, #tpu.memory_space<hbm>>
    tpu.enqueue_indirect_dma source(%dma_start3A_47 : memref<100000x64xf32, #tpu.memory_space<hbm>>) target(%dma_start3A_41 : memref<128x64xf32, #tpu.memory_space<vmem>>) offsets(%dma_start3A_44 : memref<128xi32, #tpu.memory_space<vmem>>) semaphore(%arg17 : memref<!tpu.dma_semaphore, #tpu.memory_space<semaphore_mem>>)
    %dma_start3A_48 = arith.constant 4 : i32
    %dma_start3A_49 = arith.constant 512 : i32
    %dma_start3A_50 = arith.constant 0 : i32
    %dma_start3A_51 = tpu.memref_slice %arg14[%dma_start3A_49, %dma_start3A_50] : memref<1024x64xf32, #tpu.memory_space<vmem>> -> memref<128x64xf32, #tpu.memory_space<vmem>>
    %dma_start3A_52 = arith.constant 0 : i32
    %dma_start3A_53 = tpu.memref_slice %arg11[%dma_start3A_48, %dma_start3A_52] : memref<8x128xi32, #tpu.memory_space<vmem>> -> memref<1x128xi32, #tpu.memory_space<vmem>>
    %dma_start3A_54 = tpu.memref_squeeze %dma_start3A_53 : memref<1x128xi32, #tpu.memory_space<vmem>> -> memref<128xi32, #tpu.memory_space<vmem>>
    %dma_start3A_55 = arith.constant 0 : i32
    %dma_start3A_56 = arith.constant 0 : i32
    %dma_start3A_57 = tpu.memref_slice %arg6[%dma_start3A_55, %dma_start3A_56] : memref<100000x64xf32, #tpu.memory_space<hbm>> -> memref<100000x64xf32, #tpu.memory_space<hbm>>
    tpu.enqueue_indirect_dma source(%dma_start3A_57 : memref<100000x64xf32, #tpu.memory_space<hbm>>) target(%dma_start3A_51 : memref<128x64xf32, #tpu.memory_space<vmem>>) offsets(%dma_start3A_54 : memref<128xi32, #tpu.memory_space<vmem>>) semaphore(%arg17 : memref<!tpu.dma_semaphore, #tpu.memory_space<semaphore_mem>>)
    %dma_start3A_58 = arith.constant 5 : i32
    %dma_start3A_59 = arith.constant 640 : i32
    %dma_start3A_60 = arith.constant 0 : i32
    %dma_start3A_61 = tpu.memref_slice %arg14[%dma_start3A_59, %dma_start3A_60] : memref<1024x64xf32, #tpu.memory_space<vmem>> -> memref<128x64xf32, #tpu.memory_space<vmem>>
    %dma_start3A_62 = arith.constant 0 : i32
    %dma_start3A_63 = tpu.memref_slice %arg11[%dma_start3A_58, %dma_start3A_62] : memref<8x128xi32, #tpu.memory_space<vmem>> -> memref<1x128xi32, #tpu.memory_space<vmem>>
    %dma_start3A_64 = tpu.memref_squeeze %dma_start3A_63 : memref<1x128xi32, #tpu.memory_space<vmem>> -> memref<128xi32, #tpu.memory_space<vmem>>
    %dma_start3A_65 = arith.constant 0 : i32
    %dma_start3A_66 = arith.constant 0 : i32
    %dma_start3A_67 = tpu.memref_slice %arg6[%dma_start3A_65, %dma_start3A_66] : memref<100000x64xf32, #tpu.memory_space<hbm>> -> memref<100000x64xf32, #tpu.memory_space<hbm>>
    tpu.enqueue_indirect_dma source(%dma_start3A_67 : memref<100000x64xf32, #tpu.memory_space<hbm>>) target(%dma_start3A_61 : memref<128x64xf32, #tpu.memory_space<vmem>>) offsets(%dma_start3A_64 : memref<128xi32, #tpu.memory_space<vmem>>) semaphore(%arg17 : memref<!tpu.dma_semaphore, #tpu.memory_space<semaphore_mem>>)
    %dma_start3A_68 = arith.constant 6 : i32
    %dma_start3A_69 = arith.constant 768 : i32
    %dma_start3A_70 = arith.constant 0 : i32
    %dma_start3A_71 = tpu.memref_slice %arg14[%dma_start3A_69, %dma_start3A_70] : memref<1024x64xf32, #tpu.memory_space<vmem>> -> memref<128x64xf32, #tpu.memory_space<vmem>>
    %dma_start3A_72 = arith.constant 0 : i32
    %dma_start3A_73 = tpu.memref_slice %arg11[%dma_start3A_68, %dma_start3A_72] : memref<8x128xi32, #tpu.memory_space<vmem>> -> memref<1x128xi32, #tpu.memory_space<vmem>>
    %dma_start3A_74 = tpu.memref_squeeze %dma_start3A_73 : memref<1x128xi32, #tpu.memory_space<vmem>> -> memref<128xi32, #tpu.memory_space<vmem>>
    %dma_start3A_75 = arith.constant 0 : i32
    %dma_start3A_76 = arith.constant 0 : i32
    %dma_start3A_77 = tpu.memref_slice %arg6[%dma_start3A_75, %dma_start3A_76] : memref<100000x64xf32, #tpu.memory_space<hbm>> -> memref<100000x64xf32, #tpu.memory_space<hbm>>
    tpu.enqueue_indirect_dma source(%dma_start3A_77 : memref<100000x64xf32, #tpu.memory_space<hbm>>) target(%dma_start3A_71 : memref<128x64xf32, #tpu.memory_space<vmem>>) offsets(%dma_start3A_74 : memref<128xi32, #tpu.memory_space<vmem>>) semaphore(%arg17 : memref<!tpu.dma_semaphore, #tpu.memory_space<semaphore_mem>>)
    %dma_start3A_78 = arith.constant 7 : i32
    %dma_start3A_79 = arith.constant 896 : i32
    %dma_start3A_80 = arith.constant 0 : i32
    %dma_start3A_81 = tpu.memref_slice %arg14[%dma_start3A_79, %dma_start3A_80] : memref<1024x64xf32, #tpu.memory_space<vmem>> -> memref<128x64xf32, #tpu.memory_space<vmem>>
    %dma_start3A_82 = arith.constant 0 : i32
    %dma_start3A_83 = tpu.memref_slice %arg11[%dma_start3A_78, %dma_start3A_82] : memref<8x128xi32, #tpu.memory_space<vmem>> -> memref<1x128xi32, #tpu.memory_space<vmem>>
    %dma_start3A_84 = tpu.memref_squeeze %dma_start3A_83 : memref<1x128xi32, #tpu.memory_space<vmem>> -> memref<128xi32, #tpu.memory_space<vmem>>
    %dma_start3A_85 = arith.constant 0 : i32
    %dma_start3A_86 = arith.constant 0 : i32
    %dma_start3A_87 = tpu.memref_slice %arg6[%dma_start3A_85, %dma_start3A_86] : memref<100000x64xf32, #tpu.memory_space<hbm>> -> memref<100000x64xf32, #tpu.memory_space<hbm>>
    tpu.enqueue_indirect_dma source(%dma_start3A_87 : memref<100000x64xf32, #tpu.memory_space<hbm>>) target(%dma_start3A_81 : memref<128x64xf32, #tpu.memory_space<vmem>>) offsets(%dma_start3A_84 : memref<128xi32, #tpu.memory_space<vmem>>) semaphore(%arg17 : memref<!tpu.dma_semaphore, #tpu.memory_space<semaphore_mem>>)
    %dma_wait3A = arith.constant 0 : i32
    %dma_wait3A_88 = arith.constant 0 : i32
    %dma_wait3A_89 = tpu.memref_slice %arg5[%dma_wait3A, %dma_wait3A_88] : memref<100000x64xf32, #tpu.memory_space<hbm>> -> memref<100000x64xf32, #tpu.memory_space<hbm>>
    tpu.wait_indirect_dma semaphore(%arg17 : memref<!tpu.dma_semaphore, #tpu.memory_space<semaphore_mem>>) src(%dma_wait3A_89 : memref<100000x64xf32, #tpu.memory_space<hbm>>) dst(%arg12 : memref<128x64xf32, #tpu.memory_space<vmem>>)
    %dma_wait3A_90 = arith.constant 0 : i32
    %dma_wait3A_91 = arith.constant 0 : i32
    %dma_wait3A_92 = tpu.memref_slice %arg6[%dma_wait3A_90, %dma_wait3A_91] : memref<100000x64xf32, #tpu.memory_space<hbm>> -> memref<100000x64xf32, #tpu.memory_space<hbm>>
    tpu.wait_indirect_dma semaphore(%arg17 : memref<!tpu.dma_semaphore, #tpu.memory_space<semaphore_mem>>) src(%dma_wait3A_92 : memref<100000x64xf32, #tpu.memory_space<hbm>>) dst(%arg13 : memref<128x64xf32, #tpu.memory_space<vmem>>)
    %dma_wait3A_93 = arith.constant 0 : i32
    %dma_wait3A_94 = arith.constant 0 : i32
    %dma_wait3A_95 = arith.constant 0 : i32
    %dma_wait3A_96 = tpu.memref_slice %arg14[%dma_wait3A_94, %dma_wait3A_95] : memref<1024x64xf32, #tpu.memory_space<vmem>> -> memref<128x64xf32, #tpu.memory_space<vmem>>
    %dma_wait3A_97 = arith.constant 0 : i32
    %dma_wait3A_98 = tpu.memref_slice %arg11[%dma_wait3A_93, %dma_wait3A_97] : memref<8x128xi32, #tpu.memory_space<vmem>> -> memref<1x128xi32, #tpu.memory_space<vmem>>
    %dma_wait3A_99 = tpu.memref_squeeze %dma_wait3A_98 : memref<1x128xi32, #tpu.memory_space<vmem>> -> memref<128xi32, #tpu.memory_space<vmem>>
    %dma_wait3A_100 = arith.constant 0 : i32
    %dma_wait3A_101 = arith.constant 0 : i32
    %dma_wait3A_102 = tpu.memref_slice %arg6[%dma_wait3A_100, %dma_wait3A_101] : memref<100000x64xf32, #tpu.memory_space<hbm>> -> memref<100000x64xf32, #tpu.memory_space<hbm>>
    tpu.wait_indirect_dma semaphore(%arg17 : memref<!tpu.dma_semaphore, #tpu.memory_space<semaphore_mem>>) src(%dma_wait3A_102 : memref<100000x64xf32, #tpu.memory_space<hbm>>) dst(%dma_wait3A_96 : memref<128x64xf32, #tpu.memory_space<vmem>>)
    %dma_wait3A_103 = arith.constant 1 : i32
    %dma_wait3A_104 = arith.constant 128 : i32
    %dma_wait3A_105 = arith.constant 0 : i32
    %dma_wait3A_106 = tpu.memref_slice %arg14[%dma_wait3A_104, %dma_wait3A_105] : memref<1024x64xf32, #tpu.memory_space<vmem>> -> memref<128x64xf32, #tpu.memory_space<vmem>>
    %dma_wait3A_107 = arith.constant 0 : i32
    %dma_wait3A_108 = tpu.memref_slice %arg11[%dma_wait3A_103, %dma_wait3A_107] : memref<8x128xi32, #tpu.memory_space<vmem>> -> memref<1x128xi32, #tpu.memory_space<vmem>>
    %dma_wait3A_109 = tpu.memref_squeeze %dma_wait3A_108 : memref<1x128xi32, #tpu.memory_space<vmem>> -> memref<128xi32, #tpu.memory_space<vmem>>
    %dma_wait3A_110 = arith.constant 0 : i32
    %dma_wait3A_111 = arith.constant 0 : i32
    %dma_wait3A_112 = tpu.memref_slice %arg6[%dma_wait3A_110, %dma_wait3A_111] : memref<100000x64xf32, #tpu.memory_space<hbm>> -> memref<100000x64xf32, #tpu.memory_space<hbm>>
    tpu.wait_indirect_dma semaphore(%arg17 : memref<!tpu.dma_semaphore, #tpu.memory_space<semaphore_mem>>) src(%dma_wait3A_112 : memref<100000x64xf32, #tpu.memory_space<hbm>>) dst(%dma_wait3A_106 : memref<128x64xf32, #tpu.memory_space<vmem>>)
    %dma_wait3A_113 = arith.constant 2 : i32
    %dma_wait3A_114 = arith.constant 256 : i32
    %dma_wait3A_115 = arith.constant 0 : i32
    %dma_wait3A_116 = tpu.memref_slice %arg14[%dma_wait3A_114, %dma_wait3A_115] : memref<1024x64xf32, #tpu.memory_space<vmem>> -> memref<128x64xf32, #tpu.memory_space<vmem>>
    %dma_wait3A_117 = arith.constant 0 : i32
    %dma_wait3A_118 = tpu.memref_slice %arg11[%dma_wait3A_113, %dma_wait3A_117] : memref<8x128xi32, #tpu.memory_space<vmem>> -> memref<1x128xi32, #tpu.memory_space<vmem>>
    %dma_wait3A_119 = tpu.memref_squeeze %dma_wait3A_118 : memref<1x128xi32, #tpu.memory_space<vmem>> -> memref<128xi32, #tpu.memory_space<vmem>>
    %dma_wait3A_120 = arith.constant 0 : i32
    %dma_wait3A_121 = arith.constant 0 : i32
    %dma_wait3A_122 = tpu.memref_slice %arg6[%dma_wait3A_120, %dma_wait3A_121] : memref<100000x64xf32, #tpu.memory_space<hbm>> -> memref<100000x64xf32, #tpu.memory_space<hbm>>
    tpu.wait_indirect_dma semaphore(%arg17 : memref<!tpu.dma_semaphore, #tpu.memory_space<semaphore_mem>>) src(%dma_wait3A_122 : memref<100000x64xf32, #tpu.memory_space<hbm>>) dst(%dma_wait3A_116 : memref<128x64xf32, #tpu.memory_space<vmem>>)
    %dma_wait3A_123 = arith.constant 3 : i32
    %dma_wait3A_124 = arith.constant 384 : i32
    %dma_wait3A_125 = arith.constant 0 : i32
    %dma_wait3A_126 = tpu.memref_slice %arg14[%dma_wait3A_124, %dma_wait3A_125] : memref<1024x64xf32, #tpu.memory_space<vmem>> -> memref<128x64xf32, #tpu.memory_space<vmem>>
    %dma_wait3A_127 = arith.constant 0 : i32
    %dma_wait3A_128 = tpu.memref_slice %arg11[%dma_wait3A_123, %dma_wait3A_127] : memref<8x128xi32, #tpu.memory_space<vmem>> -> memref<1x128xi32, #tpu.memory_space<vmem>>
    %dma_wait3A_129 = tpu.memref_squeeze %dma_wait3A_128 : memref<1x128xi32, #tpu.memory_space<vmem>> -> memref<128xi32, #tpu.memory_space<vmem>>
    %dma_wait3A_130 = arith.constant 0 : i32
    %dma_wait3A_131 = arith.constant 0 : i32
    %dma_wait3A_132 = tpu.memref_slice %arg6[%dma_wait3A_130, %dma_wait3A_131] : memref<100000x64xf32, #tpu.memory_space<hbm>> -> memref<100000x64xf32, #tpu.memory_space<hbm>>
    tpu.wait_indirect_dma semaphore(%arg17 : memref<!tpu.dma_semaphore, #tpu.memory_space<semaphore_mem>>) src(%dma_wait3A_132 : memref<100000x64xf32, #tpu.memory_space<hbm>>) dst(%dma_wait3A_126 : memref<128x64xf32, #tpu.memory_space<vmem>>)
    %dma_wait3A_133 = arith.constant 4 : i32
    %dma_wait3A_134 = arith.constant 512 : i32
    %dma_wait3A_135 = arith.constant 0 : i32
    %dma_wait3A_136 = tpu.memref_slice %arg14[%dma_wait3A_134, %dma_wait3A_135] : memref<1024x64xf32, #tpu.memory_space<vmem>> -> memref<128x64xf32, #tpu.memory_space<vmem>>
    %dma_wait3A_137 = arith.constant 0 : i32
    %dma_wait3A_138 = tpu.memref_slice %arg11[%dma_wait3A_133, %dma_wait3A_137] : memref<8x128xi32, #tpu.memory_space<vmem>> -> memref<1x128xi32, #tpu.memory_space<vmem>>
    %dma_wait3A_139 = tpu.memref_squeeze %dma_wait3A_138 : memref<1x128xi32, #tpu.memory_space<vmem>> -> memref<128xi32, #tpu.memory_space<vmem>>
    %dma_wait3A_140 = arith.constant 0 : i32
    %dma_wait3A_141 = arith.constant 0 : i32
    %dma_wait3A_142 = tpu.memref_slice %arg6[%dma_wait3A_140, %dma_wait3A_141] : memref<100000x64xf32, #tpu.memory_space<hbm>> -> memref<100000x64xf32, #tpu.memory_space<hbm>>
    tpu.wait_indirect_dma semaphore(%arg17 : memref<!tpu.dma_semaphore, #tpu.memory_space<semaphore_mem>>) src(%dma_wait3A_142 : memref<100000x64xf32, #tpu.memory_space<hbm>>) dst(%dma_wait3A_136 : memref<128x64xf32, #tpu.memory_space<vmem>>)
    %dma_wait3A_143 = arith.constant 5 : i32
    %dma_wait3A_144 = arith.constant 640 : i32
    %dma_wait3A_145 = arith.constant 0 : i32
    %dma_wait3A_146 = tpu.memref_slice %arg14[%dma_wait3A_144, %dma_wait3A_145] : memref<1024x64xf32, #tpu.memory_space<vmem>> -> memref<128x64xf32, #tpu.memory_space<vmem>>
    %dma_wait3A_147 = arith.constant 0 : i32
    %dma_wait3A_148 = tpu.memref_slice %arg11[%dma_wait3A_143, %dma_wait3A_147] : memref<8x128xi32, #tpu.memory_space<vmem>> -> memref<1x128xi32, #tpu.memory_space<vmem>>
    %dma_wait3A_149 = tpu.memref_squeeze %dma_wait3A_148 : memref<1x128xi32, #tpu.memory_space<vmem>> -> memref<128xi32, #tpu.memory_space<vmem>>
    %dma_wait3A_150 = arith.constant 0 : i32
    %dma_wait3A_151 = arith.constant 0 : i32
    %dma_wait3A_152 = tpu.memref_slice %arg6[%dma_wait3A_150, %dma_wait3A_151] : memref<100000x64xf32, #tpu.memory_space<hbm>> -> memref<100000x64xf32, #tpu.memory_space<hbm>>
    tpu.wait_indirect_dma semaphore(%arg17 : memref<!tpu.dma_semaphore, #tpu.memory_space<semaphore_mem>>) src(%dma_wait3A_152 : memref<100000x64xf32, #tpu.memory_space<hbm>>) dst(%dma_wait3A_146 : memref<128x64xf32, #tpu.memory_space<vmem>>)
    %dma_wait3A_153 = arith.constant 6 : i32
    %dma_wait3A_154 = arith.constant 768 : i32
    %dma_wait3A_155 = arith.constant 0 : i32
    %dma_wait3A_156 = tpu.memref_slice %arg14[%dma_wait3A_154, %dma_wait3A_155] : memref<1024x64xf32, #tpu.memory_space<vmem>> -> memref<128x64xf32, #tpu.memory_space<vmem>>
    %dma_wait3A_157 = arith.constant 0 : i32
    %dma_wait3A_158 = tpu.memref_slice %arg11[%dma_wait3A_153, %dma_wait3A_157] : memref<8x128xi32, #tpu.memory_space<vmem>> -> memref<1x128xi32, #tpu.memory_space<vmem>>
    %dma_wait3A_159 = tpu.memref_squeeze %dma_wait3A_158 : memref<1x128xi32, #tpu.memory_space<vmem>> -> memref<128xi32, #tpu.memory_space<vmem>>
    %dma_wait3A_160 = arith.constant 0 : i32
    %dma_wait3A_161 = arith.constant 0 : i32
    %dma_wait3A_162 = tpu.memref_slice %arg6[%dma_wait3A_160, %dma_wait3A_161] : memref<100000x64xf32, #tpu.memory_space<hbm>> -> memref<100000x64xf32, #tpu.memory_space<hbm>>
    tpu.wait_indirect_dma semaphore(%arg17 : memref<!tpu.dma_semaphore, #tpu.memory_space<semaphore_mem>>) src(%dma_wait3A_162 : memref<100000x64xf32, #tpu.memory_space<hbm>>) dst(%dma_wait3A_156 : memref<128x64xf32, #tpu.memory_space<vmem>>)
    %dma_wait3A_163 = arith.constant 7 : i32
    %dma_wait3A_164 = arith.constant 896 : i32
    %dma_wait3A_165 = arith.constant 0 : i32
    %dma_wait3A_166 = tpu.memref_slice %arg14[%dma_wait3A_164, %dma_wait3A_165] : memref<1024x64xf32, #tpu.memory_space<vmem>> -> memref<128x64xf32, #tpu.memory_space<vmem>>
    %dma_wait3A_167 = arith.constant 0 : i32
    %dma_wait3A_168 = tpu.memref_slice %arg11[%dma_wait3A_163, %dma_wait3A_167] : memref<8x128xi32, #tpu.memory_space<vmem>> -> memref<1x128xi32, #tpu.memory_space<vmem>>
    %dma_wait3A_169 = tpu.memref_squeeze %dma_wait3A_168 : memref<1x128xi32, #tpu.memory_space<vmem>> -> memref<128xi32, #tpu.memory_space<vmem>>
    %dma_wait3A_170 = arith.constant 0 : i32
    %dma_wait3A_171 = arith.constant 0 : i32
    %dma_wait3A_172 = tpu.memref_slice %arg6[%dma_wait3A_170, %dma_wait3A_171] : memref<100000x64xf32, #tpu.memory_space<hbm>> -> memref<100000x64xf32, #tpu.memory_space<hbm>>
    tpu.wait_indirect_dma semaphore(%arg17 : memref<!tpu.dma_semaphore, #tpu.memory_space<semaphore_mem>>) src(%dma_wait3A_172 : memref<100000x64xf32, #tpu.memory_space<hbm>>) dst(%dma_wait3A_166 : memref<128x64xf32, #tpu.memory_space<vmem>>)
    %broadcast_in_dim3A = arith.constant 0.000000e+00 : f32
    %broadcast_in_dim3A_173 = vector.broadcast %broadcast_in_dim3A : f32 to vector<16xf32>
    %iota3A = tpu.iota {dimensions = array<i32: 0>} : vector<16xi32>
    %eq3A = arith.constant 15 : i32
    %eq3A_174 = vector.broadcast %eq3A : i32 to vector<16xi32>
    %eq3A_175 = arith.cmpi eq, %iota3A, %eq3A_174 : vector<16xi32>
    %scan3A = arith.constant 0 : i32
    %scan3A_176 = arith.constant 128 : i32
    %scan3A_177 = arith.addi %scan3A, %scan3A_176 : i32
    %scan3A_178 = arith.constant 1 : i32
    %scan3A_179:3 = scf.for %scan3A_193 = %scan3A to %scan3A_177 step %scan3A_178 iter_args(%scan3A_194 = %broadcast_in_dim3A_173, %scan3A_195 = %broadcast_in_dim3A_173, %scan3A_196 = %broadcast_in_dim3A_173) -> (vector<16xf32>, vector<16xf32>, vector<16xf32>)  : i32 {
      %get3A = arith.index_cast %scan3A_193 : i32 to index
      %get3A_197 = arith.constant 0 : index
      %get3A_198 = tpu.vector_load %arg12[%get3A, %get3A_197] {strides = array<i32>} : memref<128x64xf32, #tpu.memory_space<vmem>>, vector<16xf32>,
      %get3A_199 = arith.index_cast %scan3A_193 : i32 to index
      %get3A_200 = arith.constant 16 : index
      %get3A_201 = tpu.vector_load %arg12[%get3A_199, %get3A_200] {strides = array<i32>} : memref<128x64xf32, #tpu.memory_space<vmem>>, vector<16xf32>,
      %get3A_202 = arith.index_cast %scan3A_193 : i32 to index
      %get3A_203 = arith.constant 32 : index
      %get3A_204 = tpu.vector_load %arg12[%get3A_202, %get3A_203] {strides = array<i32>} : memref<128x64xf32, #tpu.memory_space<vmem>>, vector<16xf32>,
      %get3A_205 = arith.index_cast %scan3A_193 : i32 to index
      %get3A_206 = arith.constant 48 : index
      %get3A_207 = tpu.vector_load %arg12[%get3A_205, %get3A_206] {strides = array<i32>} : memref<128x64xf32, #tpu.memory_space<vmem>>, vector<16xf32>,
      %get3A_208 = arith.index_cast %scan3A_193 : i32 to index
      %get3A_209 = arith.constant 0 : index
      %get3A_210 = tpu.vector_load %arg13[%get3A_208, %get3A_209] {strides = array<i32>} : memref<128x64xf32, #tpu.memory_space<vmem>>, vector<16xf32>,
      %get3A_211 = arith.index_cast %scan3A_193 : i32 to index
      %get3A_212 = arith.constant 16 : index
      %get3A_213 = tpu.vector_load %arg13[%get3A_211, %get3A_212] {strides = array<i32>} : memref<128x64xf32, #tpu.memory_space<vmem>>, vector<16xf32>,
      %get3A_214 = arith.index_cast %scan3A_193 : i32 to index
      %get3A_215 = arith.constant 32 : index
      %get3A_216 = tpu.vector_load %arg13[%get3A_214, %get3A_215] {strides = array<i32>} : memref<128x64xf32, #tpu.memory_space<vmem>>, vector<16xf32>,
      %get3A_217 = arith.index_cast %scan3A_193 : i32 to index
      %get3A_218 = arith.constant 48 : index
      %get3A_219 = tpu.vector_load %arg13[%get3A_217, %get3A_218] {strides = array<i32>} : memref<128x64xf32, #tpu.memory_space<vmem>>, vector<16xf32>,
      %mul3A_220 = arith.mulf %get3A_198, %get3A_198 : vector<16xf32>
      %add3A_221 = arith.addf %scan3A_194, %mul3A_220 : vector<16xf32>
      %mul3A_222 = arith.mulf %get3A_210, %get3A_210 : vector<16xf32>
      %add3A_223 = arith.addf %scan3A_195, %mul3A_222 : vector<16xf32>
      %mul3A_224 = arith.mulf %get3A_201, %get3A_201 : vector<16xf32>
      %add3A_225 = arith.addf %add3A_221, %mul3A_224 : vector<16xf32>
      %mul3A_226 = arith.mulf %get3A_213, %get3A_213 : vector<16xf32>
      %add3A_227 = arith.addf %add3A_223, %mul3A_226 : vector<16xf32>
      %mul3A_228 = arith.mulf %get3A_204, %get3A_204 : vector<16xf32>
      %add3A_229 = arith.addf %add3A_225, %mul3A_228 : vector<16xf32>
      %mul3A_230 = arith.mulf %get3A_216, %get3A_216 : vector<16xf32>
      %add3A_231 = arith.addf %add3A_227, %mul3A_230 : vector<16xf32>
      %mul3A_232 = arith.mulf %get3A_207, %get3A_207 : vector<16xf32>
      %add3A_233 = arith.addf %add3A_229, %mul3A_232 : vector<16xf32>
      %mul3A_234 = arith.mulf %get3A_219, %get3A_219 : vector<16xf32>
      %add3A_235 = arith.addf %add3A_231, %mul3A_234 : vector<16xf32>
      %mul3A_236 = arith.constant 8 : i32
      %mul3A_237 = arith.muli %scan3A_193, %mul3A_236 : i32
      %add3A_238 = arith.constant 0 : i32
      %add3A_239 = arith.addi %mul3A_237, %add3A_238 : i32
      %get3A_240 = arith.index_cast %add3A_239 : i32 to index
      %get3A_241 = arith.constant 0 : index
      %get3A_242 = tpu.vector_load %arg14[%get3A_240, %get3A_241] {strides = array<i32>} : memref<1024x64xf32, #tpu.memory_space<vmem>>, vector<16xf32>,
      %get3A_243 = arith.index_cast %add3A_239 : i32 to index
      %get3A_244 = arith.constant 16 : index
      %get3A_245 = tpu.vector_load %arg14[%get3A_243, %get3A_244] {strides = array<i32>} : memref<1024x64xf32, #tpu.memory_space<vmem>>, vector<16xf32>,
      %get3A_246 = arith.index_cast %add3A_239 : i32 to index
      %get3A_247 = arith.constant 32 : index
      %get3A_248 = tpu.vector_load %arg14[%get3A_246, %get3A_247] {strides = array<i32>} : memref<1024x64xf32, #tpu.memory_space<vmem>>, vector<16xf32>,
      %get3A_249 = arith.index_cast %add3A_239 : i32 to index
      %get3A_250 = arith.constant 48 : index
      %get3A_251 = tpu.vector_load %arg14[%get3A_249, %get3A_250] {strides = array<i32>} : memref<1024x64xf32, #tpu.memory_space<vmem>>, vector<16xf32>,
      %mul3A_252 = arith.mulf %get3A_242, %get3A_242 : vector<16xf32>
      %add3A_253 = arith.addf %scan3A_196, %mul3A_252 : vector<16xf32>
      %mul3A_254 = arith.mulf %get3A_245, %get3A_245 : vector<16xf32>
      %add3A_255 = arith.addf %add3A_253, %mul3A_254 : vector<16xf32>
      %mul3A_256 = arith.mulf %get3A_248, %get3A_248 : vector<16xf32>
      %add3A_257 = arith.addf %add3A_255, %mul3A_256 : vector<16xf32>
      %mul3A_258 = arith.mulf %get3A_251, %get3A_251 : vector<16xf32>
      %add3A_259 = arith.addf %add3A_257, %mul3A_258 : vector<16xf32>
      %sub3A = arith.subf %get3A_210, %get3A_242 : vector<16xf32>
      %mul3A_260 = arith.mulf %get3A_198, %sub3A : vector<16xf32>
      %sub3A_261 = arith.subf %get3A_213, %get3A_245 : vector<16xf32>
      %mul3A_262 = arith.mulf %get3A_201, %sub3A_261 : vector<16xf32>
      %add3A_263 = arith.addf %mul3A_260, %mul3A_262 : vector<16xf32>
      %sub3A_264 = arith.subf %get3A_216, %get3A_248 : vector<16xf32>
      %mul3A_265 = arith.mulf %get3A_204, %sub3A_264 : vector<16xf32>
      %add3A_266 = arith.addf %add3A_263, %mul3A_265 : vector<16xf32>
      %sub3A_267 = arith.subf %get3A_219, %get3A_251 : vector<16xf32>
      %mul3A_268 = arith.mulf %get3A_207, %sub3A_267 : vector<16xf32>
      %add3A_269 = arith.addf %add3A_266, %mul3A_268 : vector<16xf32>
      %sub3A_270 = arith.constant 15 : i32
      %sub3A_271 = arith.subi %add3A_239, %sub3A_270 : i32
      %add3A_272 = vector.broadcast %sub3A_271 : i32 to vector<16xi32>
      %add3A_273 = arith.addi %iota3A, %add3A_272 : vector<16xi32>
      %broadcast_in_dim3A_274 = arith.constant true
      %broadcast_in_dim3A_275 = vector.broadcast %broadcast_in_dim3A_274 : i1 to vector<16xi1>
      %masked_cumsum3A = tpu.scan <sum>, %add3A_269 masked %broadcast_in_dim3A_275 : vector<16xf32>, vector<16xi1> -> vector<16xf32>
      tpu.vector_store_idx %arg15[%add3A_273], %masked_cumsum3A masked %eq3A_175 : memref<1024xf32, #tpu.memory_space<vmem>>[vector<16xi32>], vector<16xf32>, vector<16xi1>
      %mul3A_276 = arith.constant 8 : i32
      %mul3A_277 = arith.muli %scan3A_193, %mul3A_276 : i32
      %add3A_278 = arith.constant 1 : i32
      %add3A_279 = arith.addi %mul3A_277, %add3A_278 : i32
      %get3A_280 = arith.index_cast %add3A_279 : i32 to index
      %get3A_281 = arith.constant 0 : index
      %get3A_282 = tpu.vector_load %arg14[%get3A_280, %get3A_281] {strides = array<i32>} : memref<1024x64xf32, #tpu.memory_space<vmem>>, vector<16xf32>,
      %get3A_283 = arith.index_cast %add3A_279 : i32 to index
      %get3A_284 = arith.constant 16 : index
      %get3A_285 = tpu.vector_load %arg14[%get3A_283, %get3A_284] {strides = array<i32>} : memref<1024x64xf32, #tpu.memory_space<vmem>>, vector<16xf32>,
      %get3A_286 = arith.index_cast %add3A_279 : i32 to index
      %get3A_287 = arith.constant 32 : index
      %get3A_288 = tpu.vector_load %arg14[%get3A_286, %get3A_287] {strides = array<i32>} : memref<1024x64xf32, #tpu.memory_space<vmem>>, vector<16xf32>,
      %get3A_289 = arith.index_cast %add3A_279 : i32 to index
      %get3A_290 = arith.constant 48 : index
      %get3A_291 = tpu.vector_load %arg14[%get3A_289, %get3A_290] {strides = array<i32>} : memref<1024x64xf32, #tpu.memory_space<vmem>>, vector<16xf32>,
      %mul3A_292 = arith.mulf %get3A_282, %get3A_282 : vector<16xf32>
      %add3A_293 = arith.addf %add3A_259, %mul3A_292 : vector<16xf32>
      %mul3A_294 = arith.mulf %get3A_285, %get3A_285 : vector<16xf32>
      %add3A_295 = arith.addf %add3A_293, %mul3A_294 : vector<16xf32>
      %mul3A_296 = arith.mulf %get3A_288, %get3A_288 : vector<16xf32>
      %add3A_297 = arith.addf %add3A_295, %mul3A_296 : vector<16xf32>
      %mul3A_298 = arith.mulf %get3A_291, %get3A_291 : vector<16xf32>
      %add3A_299 = arith.addf %add3A_297, %mul3A_298 : vector<16xf32>
      %sub3A_300 = arith.subf %get3A_210, %get3A_282 : vector<16xf32>
      %mul3A_301 = arith.mulf %get3A_198, %sub3A_300 : vector<16xf32>
      %sub3A_302 = arith.subf %get3A_213, %get3A_285 : vector<16xf32>
      %mul3A_303 = arith.mulf %get3A_201, %sub3A_302 : vector<16xf32>
      %add3A_304 = arith.addf %mul3A_301, %mul3A_303 : vector<16xf32>
      %sub3A_305 = arith.subf %get3A_216, %get3A_288 : vector<16xf32>
      %mul3A_306 = arith.mulf %get3A_204, %sub3A_305 : vector<16xf32>
      %add3A_307 = arith.addf %add3A_304, %mul3A_306 : vector<16xf32>
      %sub3A_308 = arith.subf %get3A_219, %get3A_291 : vector<16xf32>
      %mul3A_309 = arith.mulf %get3A_207, %sub3A_308 : vector<16xf32>
      %add3A_310 = arith.addf %add3A_307, %mul3A_309 : vector<16xf32>
      %sub3A_311 = arith.constant 15 : i32
      %sub3A_312 = arith.subi %add3A_279, %sub3A_311 : i32
      %add3A_313 = vector.broadcast %sub3A_312 : i32 to vector<16xi32>
      %add3A_314 = arith.addi %iota3A, %add3A_313 : vector<16xi32>
      %broadcast_in_dim3A_315 = arith.constant true
      %broadcast_in_dim3A_316 = vector.broadcast %broadcast_in_dim3A_315 : i1 to vector<16xi1>
      %masked_cumsum3A_317 = tpu.scan <sum>, %add3A_310 masked %broadcast_in_dim3A_316 : vector<16xf32>, vector<16xi1> -> vector<16xf32>
      tpu.vector_store_idx %arg15[%add3A_314], %masked_cumsum3A_317 masked %eq3A_175 : memref<1024xf32, #tpu.memory_space<vmem>>[vector<16xi32>], vector<16xf32>, vector<16xi1>
      %mul3A_318 = arith.constant 8 : i32
      %mul3A_319 = arith.muli %scan3A_193, %mul3A_318 : i32
      %add3A_320 = arith.constant 2 : i32
      %add3A_321 = arith.addi %mul3A_319, %add3A_320 : i32
      %get3A_322 = arith.index_cast %add3A_321 : i32 to index
      %get3A_323 = arith.constant 0 : index
      %get3A_324 = tpu.vector_load %arg14[%get3A_322, %get3A_323] {strides = array<i32>} : memref<1024x64xf32, #tpu.memory_space<vmem>>, vector<16xf32>,
      %get3A_325 = arith.index_cast %add3A_321 : i32 to index
      %get3A_326 = arith.constant 16 : index
      %get3A_327 = tpu.vector_load %arg14[%get3A_325, %get3A_326] {strides = array<i32>} : memref<1024x64xf32, #tpu.memory_space<vmem>>, vector<16xf32>,
      %get3A_328 = arith.index_cast %add3A_321 : i32 to index
      %get3A_329 = arith.constant 32 : index
      %get3A_330 = tpu.vector_load %arg14[%get3A_328, %get3A_329] {strides = array<i32>} : memref<1024x64xf32, #tpu.memory_space<vmem>>, vector<16xf32>,
      %get3A_331 = arith.index_cast %add3A_321 : i32 to index
      %get3A_332 = arith.constant 48 : index
      %get3A_333 = tpu.vector_load %arg14[%get3A_331, %get3A_332] {strides = array<i32>} : memref<1024x64xf32, #tpu.memory_space<vmem>>, vector<16xf32>,
      %mul3A_334 = arith.mulf %get3A_324, %get3A_324 : vector<16xf32>
      %add3A_335 = arith.addf %add3A_299, %mul3A_334 : vector<16xf32>
      %mul3A_336 = arith.mulf %get3A_327, %get3A_327 : vector<16xf32>
      %add3A_337 = arith.addf %add3A_335, %mul3A_336 : vector<16xf32>
      %mul3A_338 = arith.mulf %get3A_330, %get3A_330 : vector<16xf32>
      %add3A_339 = arith.addf %add3A_337, %mul3A_338 : vector<16xf32>
      %mul3A_340 = arith.mulf %get3A_333, %get3A_333 : vector<16xf32>
      %add3A_341 = arith.addf %add3A_339, %mul3A_340 : vector<16xf32>
      %sub3A_342 = arith.subf %get3A_210, %get3A_324 : vector<16xf32>
      %mul3A_343 = arith.mulf %get3A_198, %sub3A_342 : vector<16xf32>
      %sub3A_344 = arith.subf %get3A_213, %get3A_327 : vector<16xf32>
      %mul3A_345 = arith.mulf %get3A_201, %sub3A_344 : vector<16xf32>
      %add3A_346 = arith.addf %mul3A_343, %mul3A_345 : vector<16xf32>
      %sub3A_347 = arith.subf %get3A_216, %get3A_330 : vector<16xf32>
      %mul3A_348 = arith.mulf %get3A_204, %sub3A_347 : vector<16xf32>
      %add3A_349 = arith.addf %add3A_346, %mul3A_348 : vector<16xf32>
      %sub3A_350 = arith.subf %get3A_219, %get3A_333 : vector<16xf32>
      %mul3A_351 = arith.mulf %get3A_207, %sub3A_350 : vector<16xf32>
      %add3A_352 = arith.addf %add3A_349, %mul3A_351 : vector<16xf32>
      %sub3A_353 = arith.constant 15 : i32
      %sub3A_354 = arith.subi %add3A_321, %sub3A_353 : i32
      %add3A_355 = vector.broadcast %sub3A_354 : i32 to vector<16xi32>
      %add3A_356 = arith.addi %iota3A, %add3A_355 : vector<16xi32>
      %broadcast_in_dim3A_357 = arith.constant true
      %broadcast_in_dim3A_358 = vector.broadcast %broadcast_in_dim3A_357 : i1 to vector<16xi1>
      %masked_cumsum3A_359 = tpu.scan <sum>, %add3A_352 masked %broadcast_in_dim3A_358 : vector<16xf32>, vector<16xi1> -> vector<16xf32>
      tpu.vector_store_idx %arg15[%add3A_356], %masked_cumsum3A_359 masked %eq3A_175 : memref<1024xf32, #tpu.memory_space<vmem>>[vector<16xi32>], vector<16xf32>, vector<16xi1>
      %mul3A_360 = arith.constant 8 : i32
      %mul3A_361 = arith.muli %scan3A_193, %mul3A_360 : i32
      %add3A_362 = arith.constant 3 : i32
      %add3A_363 = arith.addi %mul3A_361, %add3A_362 : i32
      %get3A_364 = arith.index_cast %add3A_363 : i32 to index
      %get3A_365 = arith.constant 0 : index
      %get3A_366 = tpu.vector_load %arg14[%get3A_364, %get3A_365] {strides = array<i32>} : memref<1024x64xf32, #tpu.memory_space<vmem>>, vector<16xf32>,
      %get3A_367 = arith.index_cast %add3A_363 : i32 to index
      %get3A_368 = arith.constant 16 : index
      %get3A_369 = tpu.vector_load %arg14[%get3A_367, %get3A_368] {strides = array<i32>} : memref<1024x64xf32, #tpu.memory_space<vmem>>, vector<16xf32>,
      %get3A_370 = arith.index_cast %add3A_363 : i32 to index
      %get3A_371 = arith.constant 32 : index
      %get3A_372 = tpu.vector_load %arg14[%get3A_370, %get3A_371] {strides = array<i32>} : memref<1024x64xf32, #tpu.memory_space<vmem>>, vector<16xf32>,
      %get3A_373 = arith.index_cast %add3A_363 : i32 to index
      %get3A_374 = arith.constant 48 : index
      %get3A_375 = tpu.vector_load %arg14[%get3A_373, %get3A_374] {strides = array<i32>} : memref<1024x64xf32, #tpu.memory_space<vmem>>, vector<16xf32>,
      %mul3A_376 = arith.mulf %get3A_366, %get3A_366 : vector<16xf32>
      %add3A_377 = arith.addf %add3A_341, %mul3A_376 : vector<16xf32>
      %mul3A_378 = arith.mulf %get3A_369, %get3A_369 : vector<16xf32>
      %add3A_379 = arith.addf %add3A_377, %mul3A_378 : vector<16xf32>
      %mul3A_380 = arith.mulf %get3A_372, %get3A_372 : vector<16xf32>
      %add3A_381 = arith.addf %add3A_379, %mul3A_380 : vector<16xf32>
      %mul3A_382 = arith.mulf %get3A_375, %get3A_375 : vector<16xf32>
      %add3A_383 = arith.addf %add3A_381, %mul3A_382 : vector<16xf32>
      %sub3A_384 = arith.subf %get3A_210, %get3A_366 : vector<16xf32>
      %mul3A_385 = arith.mulf %get3A_198, %sub3A_384 : vector<16xf32>
      %sub3A_386 = arith.subf %get3A_213, %get3A_369 : vector<16xf32>
      %mul3A_387 = arith.mulf %get3A_201, %sub3A_386 : vector<16xf32>
      %add3A_388 = arith.addf %mul3A_385, %mul3A_387 : vector<16xf32>
      %sub3A_389 = arith.subf %get3A_216, %get3A_372 : vector<16xf32>
      %mul3A_390 = arith.mulf %get3A_204, %sub3A_389 : vector<16xf32>
      %add3A_391 = arith.addf %add3A_388, %mul3A_390 : vector<16xf32>
      %sub3A_392 = arith.subf %get3A_219, %get3A_375 : vector<16xf32>
      %mul3A_393 = arith.mulf %get3A_207, %sub3A_392 : vector<16xf32>
      %add3A_394 = arith.addf %add3A_391, %mul3A_393 : vector<16xf32>
      %sub3A_395 = arith.constant 15 : i32
      %sub3A_396 = arith.subi %add3A_363, %sub3A_395 : i32
      %add3A_397 = vector.broadcast %sub3A_396 : i32 to vector<16xi32>
      %add3A_398 = arith.addi %iota3A, %add3A_397 : vector<16xi32>
      %broadcast_in_dim3A_399 = arith.constant true
      %broadcast_in_dim3A_400 = vector.broadcast %broadcast_in_dim3A_399 : i1 to vector<16xi1>
      %masked_cumsum3A_401 = tpu.scan <sum>, %add3A_394 masked %broadcast_in_dim3A_400 : vector<16xf32>, vector<16xi1> -> vector<16xf32>
      tpu.vector_store_idx %arg15[%add3A_398], %masked_cumsum3A_401 masked %eq3A_175 : memref<1024xf32, #tpu.memory_space<vmem>>[vector<16xi32>], vector<16xf32>, vector<16xi1>
      %mul3A_402 = arith.constant 8 : i32
      %mul3A_403 = arith.muli %scan3A_193, %mul3A_402 : i32
      %add3A_404 = arith.constant 4 : i32
      %add3A_405 = arith.addi %mul3A_403, %add3A_404 : i32
      %get3A_406 = arith.index_cast %add3A_405 : i32 to index
      %get3A_407 = arith.constant 0 : index
      %get3A_408 = tpu.vector_load %arg14[%get3A_406, %get3A_407] {strides = array<i32>} : memref<1024x64xf32, #tpu.memory_space<vmem>>, vector<16xf32>,
      %get3A_409 = arith.index_cast %add3A_405 : i32 to index
      %get3A_410 = arith.constant 16 : index
      %get3A_411 = tpu.vector_load %arg14[%get3A_409, %get3A_410] {strides = array<i32>} : memref<1024x64xf32, #tpu.memory_space<vmem>>, vector<16xf32>,
      %get3A_412 = arith.index_cast %add3A_405 : i32 to index
      %get3A_413 = arith.constant 32 : index
      %get3A_414 = tpu.vector_load %arg14[%get3A_412, %get3A_413] {strides = array<i32>} : memref<1024x64xf32, #tpu.memory_space<vmem>>, vector<16xf32>,
      %get3A_415 = arith.index_cast %add3A_405 : i32 to index
      %get3A_416 = arith.constant 48 : index
      %get3A_417 = tpu.vector_load %arg14[%get3A_415, %get3A_416] {strides = array<i32>} : memref<1024x64xf32, #tpu.memory_space<vmem>>, vector<16xf32>,
      %mul3A_418 = arith.mulf %get3A_408, %get3A_408 : vector<16xf32>
      %add3A_419 = arith.addf %add3A_383, %mul3A_418 : vector<16xf32>
      %mul3A_420 = arith.mulf %get3A_411, %get3A_411 : vector<16xf32>
      %add3A_421 = arith.addf %add3A_419, %mul3A_420 : vector<16xf32>
      %mul3A_422 = arith.mulf %get3A_414, %get3A_414 : vector<16xf32>
      %add3A_423 = arith.addf %add3A_421, %mul3A_422 : vector<16xf32>
      %mul3A_424 = arith.mulf %get3A_417, %get3A_417 : vector<16xf32>
      %add3A_425 = arith.addf %add3A_423, %mul3A_424 : vector<16xf32>
      %sub3A_426 = arith.subf %get3A_210, %get3A_408 : vector<16xf32>
      %mul3A_427 = arith.mulf %get3A_198, %sub3A_426 : vector<16xf32>
      %sub3A_428 = arith.subf %get3A_213, %get3A_411 : vector<16xf32>
      %mul3A_429 = arith.mulf %get3A_201, %sub3A_428 : vector<16xf32>
      %add3A_430 = arith.addf %mul3A_427, %mul3A_429 : vector<16xf32>
      %sub3A_431 = arith.subf %get3A_216, %get3A_414 : vector<16xf32>
      %mul3A_432 = arith.mulf %get3A_204, %sub3A_431 : vector<16xf32>
      %add3A_433 = arith.addf %add3A_430, %mul3A_432 : vector<16xf32>
      %sub3A_434 = arith.subf %get3A_219, %get3A_417 : vector<16xf32>
      %mul3A_435 = arith.mulf %get3A_207, %sub3A_434 : vector<16xf32>
      %add3A_436 = arith.addf %add3A_433, %mul3A_435 : vector<16xf32>
      %sub3A_437 = arith.constant 15 : i32
      %sub3A_438 = arith.subi %add3A_405, %sub3A_437 : i32
      %add3A_439 = vector.broadcast %sub3A_438 : i32 to vector<16xi32>
      %add3A_440 = arith.addi %iota3A, %add3A_439 : vector<16xi32>
      %broadcast_in_dim3A_441 = arith.constant true
      %broadcast_in_dim3A_442 = vector.broadcast %broadcast_in_dim3A_441 : i1 to vector<16xi1>
      %masked_cumsum3A_443 = tpu.scan <sum>, %add3A_436 masked %broadcast_in_dim3A_442 : vector<16xf32>, vector<16xi1> -> vector<16xf32>
      tpu.vector_store_idx %arg15[%add3A_440], %masked_cumsum3A_443 masked %eq3A_175 : memref<1024xf32, #tpu.memory_space<vmem>>[vector<16xi32>], vector<16xf32>, vector<16xi1>
      %mul3A_444 = arith.constant 8 : i32
      %mul3A_445 = arith.muli %scan3A_193, %mul3A_444 : i32
      %add3A_446 = arith.constant 5 : i32
      %add3A_447 = arith.addi %mul3A_445, %add3A_446 : i32
      %get3A_448 = arith.index_cast %add3A_447 : i32 to index
      %get3A_449 = arith.constant 0 : index
      %get3A_450 = tpu.vector_load %arg14[%get3A_448, %get3A_449] {strides = array<i32>} : memref<1024x64xf32, #tpu.memory_space<vmem>>, vector<16xf32>,
      %get3A_451 = arith.index_cast %add3A_447 : i32 to index
      %get3A_452 = arith.constant 16 : index
      %get3A_453 = tpu.vector_load %arg14[%get3A_451, %get3A_452] {strides = array<i32>} : memref<1024x64xf32, #tpu.memory_space<vmem>>, vector<16xf32>,
      %get3A_454 = arith.index_cast %add3A_447 : i32 to index
      %get3A_455 = arith.constant 32 : index
      %get3A_456 = tpu.vector_load %arg14[%get3A_454, %get3A_455] {strides = array<i32>} : memref<1024x64xf32, #tpu.memory_space<vmem>>, vector<16xf32>,
      %get3A_457 = arith.index_cast %add3A_447 : i32 to index
      %get3A_458 = arith.constant 48 : index
      %get3A_459 = tpu.vector_load %arg14[%get3A_457, %get3A_458] {strides = array<i32>} : memref<1024x64xf32, #tpu.memory_space<vmem>>, vector<16xf32>,
      %mul3A_460 = arith.mulf %get3A_450, %get3A_450 : vector<16xf32>
      %add3A_461 = arith.addf %add3A_425, %mul3A_460 : vector<16xf32>
      %mul3A_462 = arith.mulf %get3A_453, %get3A_453 : vector<16xf32>
      %add3A_463 = arith.addf %add3A_461, %mul3A_462 : vector<16xf32>
      %mul3A_464 = arith.mulf %get3A_456, %get3A_456 : vector<16xf32>
      %add3A_465 = arith.addf %add3A_463, %mul3A_464 : vector<16xf32>
      %mul3A_466 = arith.mulf %get3A_459, %get3A_459 : vector<16xf32>
      %add3A_467 = arith.addf %add3A_465, %mul3A_466 : vector<16xf32>
      %sub3A_468 = arith.subf %get3A_210, %get3A_450 : vector<16xf32>
      %mul3A_469 = arith.mulf %get3A_198, %sub3A_468 : vector<16xf32>
      %sub3A_470 = arith.subf %get3A_213, %get3A_453 : vector<16xf32>
      %mul3A_471 = arith.mulf %get3A_201, %sub3A_470 : vector<16xf32>
      %add3A_472 = arith.addf %mul3A_469, %mul3A_471 : vector<16xf32>
      %sub3A_473 = arith.subf %get3A_216, %get3A_456 : vector<16xf32>
      %mul3A_474 = arith.mulf %get3A_204, %sub3A_473 : vector<16xf32>
      %add3A_475 = arith.addf %add3A_472, %mul3A_474 : vector<16xf32>
      %sub3A_476 = arith.subf %get3A_219, %get3A_459 : vector<16xf32>
      %mul3A_477 = arith.mulf %get3A_207, %sub3A_476 : vector<16xf32>
      %add3A_478 = arith.addf %add3A_475, %mul3A_477 : vector<16xf32>
      %sub3A_479 = arith.constant 15 : i32
      %sub3A_480 = arith.subi %add3A_447, %sub3A_479 : i32
      %add3A_481 = vector.broadcast %sub3A_480 : i32 to vector<16xi32>
      %add3A_482 = arith.addi %iota3A, %add3A_481 : vector<16xi32>
      %broadcast_in_dim3A_483 = arith.constant true
      %broadcast_in_dim3A_484 = vector.broadcast %broadcast_in_dim3A_483 : i1 to vector<16xi1>
      %masked_cumsum3A_485 = tpu.scan <sum>, %add3A_478 masked %broadcast_in_dim3A_484 : vector<16xf32>, vector<16xi1> -> vector<16xf32>
      tpu.vector_store_idx %arg15[%add3A_482], %masked_cumsum3A_485 masked %eq3A_175 : memref<1024xf32, #tpu.memory_space<vmem>>[vector<16xi32>], vector<16xf32>, vector<16xi1>
      %mul3A_486 = arith.constant 8 : i32
      %mul3A_487 = arith.muli %scan3A_193, %mul3A_486 : i32
      %add3A_488 = arith.constant 6 : i32
      %add3A_489 = arith.addi %mul3A_487, %add3A_488 : i32
      %get3A_490 = arith.index_cast %add3A_489 : i32 to index
      %get3A_491 = arith.constant 0 : index
      %get3A_492 = tpu.vector_load %arg14[%get3A_490, %get3A_491] {strides = array<i32>} : memref<1024x64xf32, #tpu.memory_space<vmem>>, vector<16xf32>,
      %get3A_493 = arith.index_cast %add3A_489 : i32 to index
      %get3A_494 = arith.constant 16 : index
      %get3A_495 = tpu.vector_load %arg14[%get3A_493, %get3A_494] {strides = array<i32>} : memref<1024x64xf32, #tpu.memory_space<vmem>>, vector<16xf32>,
      %get3A_496 = arith.index_cast %add3A_489 : i32 to index
      %get3A_497 = arith.constant 32 : index
      %get3A_498 = tpu.vector_load %arg14[%get3A_496, %get3A_497] {strides = array<i32>} : memref<1024x64xf32, #tpu.memory_space<vmem>>, vector<16xf32>,
      %get3A_499 = arith.index_cast %add3A_489 : i32 to index
      %get3A_500 = arith.constant 48 : index
      %get3A_501 = tpu.vector_load %arg14[%get3A_499, %get3A_500] {strides = array<i32>} : memref<1024x64xf32, #tpu.memory_space<vmem>>, vector<16xf32>,
      %mul3A_502 = arith.mulf %get3A_492, %get3A_492 : vector<16xf32>
      %add3A_503 = arith.addf %add3A_467, %mul3A_502 : vector<16xf32>
      %mul3A_504 = arith.mulf %get3A_495, %get3A_495 : vector<16xf32>
      %add3A_505 = arith.addf %add3A_503, %mul3A_504 : vector<16xf32>
      %mul3A_506 = arith.mulf %get3A_498, %get3A_498 : vector<16xf32>
      %add3A_507 = arith.addf %add3A_505, %mul3A_506 : vector<16xf32>
      %mul3A_508 = arith.mulf %get3A_501, %get3A_501 : vector<16xf32>
      %add3A_509 = arith.addf %add3A_507, %mul3A_508 : vector<16xf32>
      %sub3A_510 = arith.subf %get3A_210, %get3A_492 : vector<16xf32>
      %mul3A_511 = arith.mulf %get3A_198, %sub3A_510 : vector<16xf32>
      %sub3A_512 = arith.subf %get3A_213, %get3A_495 : vector<16xf32>
      %mul3A_513 = arith.mulf %get3A_201, %sub3A_512 : vector<16xf32>
      %add3A_514 = arith.addf %mul3A_511, %mul3A_513 : vector<16xf32>
      %sub3A_515 = arith.subf %get3A_216, %get3A_498 : vector<16xf32>
      %mul3A_516 = arith.mulf %get3A_204, %sub3A_515 : vector<16xf32>
      %add3A_517 = arith.addf %add3A_514, %mul3A_516 : vector<16xf32>
      %sub3A_518 = arith.subf %get3A_219, %get3A_501 : vector<16xf32>
      %mul3A_519 = arith.mulf %get3A_207, %sub3A_518 : vector<16xf32>
      %add3A_520 = arith.addf %add3A_517, %mul3A_519 : vector<16xf32>
      %sub3A_521 = arith.constant 15 : i32
      %sub3A_522 = arith.subi %add3A_489, %sub3A_521 : i32
      %add3A_523 = vector.broadcast %sub3A_522 : i32 to vector<16xi32>
      %add3A_524 = arith.addi %iota3A, %add3A_523 : vector<16xi32>
      %broadcast_in_dim3A_525 = arith.constant true
      %broadcast_in_dim3A_526 = vector.broadcast %broadcast_in_dim3A_525 : i1 to vector<16xi1>
      %masked_cumsum3A_527 = tpu.scan <sum>, %add3A_520 masked %broadcast_in_dim3A_526 : vector<16xf32>, vector<16xi1> -> vector<16xf32>
      tpu.vector_store_idx %arg15[%add3A_524], %masked_cumsum3A_527 masked %eq3A_175 : memref<1024xf32, #tpu.memory_space<vmem>>[vector<16xi32>], vector<16xf32>, vector<16xi1>
      %mul3A_528 = arith.constant 8 : i32
      %mul3A_529 = arith.muli %scan3A_193, %mul3A_528 : i32
      %add3A_530 = arith.constant 7 : i32
      %add3A_531 = arith.addi %mul3A_529, %add3A_530 : i32
      %get3A_532 = arith.index_cast %add3A_531 : i32 to index
      %get3A_533 = arith.constant 0 : index
      %get3A_534 = tpu.vector_load %arg14[%get3A_532, %get3A_533] {strides = array<i32>} : memref<1024x64xf32, #tpu.memory_space<vmem>>, vector<16xf32>,
      %get3A_535 = arith.index_cast %add3A_531 : i32 to index
      %get3A_536 = arith.constant 16 : index
      %get3A_537 = tpu.vector_load %arg14[%get3A_535, %get3A_536] {strides = array<i32>} : memref<1024x64xf32, #tpu.memory_space<vmem>>, vector<16xf32>,
      %get3A_538 = arith.index_cast %add3A_531 : i32 to index
      %get3A_539 = arith.constant 32 : index
      %get3A_540 = tpu.vector_load %arg14[%get3A_538, %get3A_539] {strides = array<i32>} : memref<1024x64xf32, #tpu.memory_space<vmem>>, vector<16xf32>,
      %get3A_541 = arith.index_cast %add3A_531 : i32 to index
      %get3A_542 = arith.constant 48 : index
      %get3A_543 = tpu.vector_load %arg14[%get3A_541, %get3A_542] {strides = array<i32>} : memref<1024x64xf32, #tpu.memory_space<vmem>>, vector<16xf32>,
      %mul3A_544 = arith.mulf %get3A_534, %get3A_534 : vector<16xf32>
      %add3A_545 = arith.addf %add3A_509, %mul3A_544 : vector<16xf32>
      %mul3A_546 = arith.mulf %get3A_537, %get3A_537 : vector<16xf32>
      %add3A_547 = arith.addf %add3A_545, %mul3A_546 : vector<16xf32>
      %mul3A_548 = arith.mulf %get3A_540, %get3A_540 : vector<16xf32>
      %add3A_549 = arith.addf %add3A_547, %mul3A_548 : vector<16xf32>
      %mul3A_550 = arith.mulf %get3A_543, %get3A_543 : vector<16xf32>
      %add3A_551 = arith.addf %add3A_549, %mul3A_550 : vector<16xf32>
      %sub3A_552 = arith.subf %get3A_210, %get3A_534 : vector<16xf32>
      %mul3A_553 = arith.mulf %get3A_198, %sub3A_552 : vector<16xf32>
      %sub3A_554 = arith.subf %get3A_213, %get3A_537 : vector<16xf32>
      %mul3A_555 = arith.mulf %get3A_201, %sub3A_554 : vector<16xf32>
      %add3A_556 = arith.addf %mul3A_553, %mul3A_555 : vector<16xf32>
      %sub3A_557 = arith.subf %get3A_216, %get3A_540 : vector<16xf32>
      %mul3A_558 = arith.mulf %get3A_204, %sub3A_557 : vector<16xf32>
      %add3A_559 = arith.addf %add3A_556, %mul3A_558 : vector<16xf32>
      %sub3A_560 = arith.subf %get3A_219, %get3A_543 : vector<16xf32>
      %mul3A_561 = arith.mulf %get3A_207, %sub3A_560 : vector<16xf32>
      %add3A_562 = arith.addf %add3A_559, %mul3A_561 : vector<16xf32>
      %sub3A_563 = arith.constant 15 : i32
      %sub3A_564 = arith.subi %add3A_531, %sub3A_563 : i32
      %add3A_565 = vector.broadcast %sub3A_564 : i32 to vector<16xi32>
      %add3A_566 = arith.addi %iota3A, %add3A_565 : vector<16xi32>
      %broadcast_in_dim3A_567 = arith.constant true
      %broadcast_in_dim3A_568 = vector.broadcast %broadcast_in_dim3A_567 : i1 to vector<16xi1>
      %masked_cumsum3A_569 = tpu.scan <sum>, %add3A_562 masked %broadcast_in_dim3A_568 : vector<16xf32>, vector<16xi1> -> vector<16xf32>
      tpu.vector_store_idx %arg15[%add3A_566], %masked_cumsum3A_569 masked %eq3A_175 : memref<1024xf32, #tpu.memory_space<vmem>>[vector<16xi32>], vector<16xf32>, vector<16xi1>
      scf.yield %add3A_233, %add3A_235, %add3A_551 : vector<16xf32>, vector<16xf32>, vector<16xf32>
    }
    %scan3A_180 = arith.constant 128 : i32
    %swap3A = arith.constant 0 : index
    %swap3A_181 = tpu.vector_load %arg16[%swap3A] {strides = array<i32>} : memref<48xf32, #tpu.memory_space<vmem>>, vector<16xf32>,
    tpu.vector_store %arg16[%swap3A], %scan3A_179#0 {strides = array<i32>} : memref<48xf32, #tpu.memory_space<vmem>>, vector<16xf32>,
    %swap3A_182 = arith.constant 16 : index
    %swap3A_183 = tpu.vector_load %arg16[%swap3A_182] {strides = array<i32>} : memref<48xf32, #tpu.memory_space<vmem>>, vector<16xf32>,
    tpu.vector_store %arg16[%swap3A_182], %scan3A_179#1 {strides = array<i32>} : memref<48xf32, #tpu.memory_space<vmem>>, vector<16xf32>,
    %mul3A_184 = arith.constant 1.250000e-01 : f32
    %mul3A_185 = vector.broadcast %mul3A_184 : f32 to vector<16xf32>
    %mul3A_186 = arith.mulf %scan3A_179#2, %mul3A_185 : vector<16xf32>
    %swap3A_187 = arith.constant 32 : index
    %swap3A_188 = tpu.vector_load %arg16[%swap3A_187] {strides = array<i32>} : memref<48xf32, #tpu.memory_space<vmem>>, vector<16xf32>,
    tpu.vector_store %arg16[%swap3A_187], %mul3A_186 {strides = array<i32>} : memref<48xf32, #tpu.memory_space<vmem>>, vector<16xf32>,
    %mul3A_189 = arith.constant 8 : i32
    %mul3A_190 = arith.muli %mul3A_2, %mul3A_189 : i32
    "tpu.region"() ({
      %run_scoped3A = tpu.sem_alloc : memref<!tpu.dma_semaphore, #tpu.memory_space<semaphore_mem>>
      %dma_start3A_193 = tpu.memref_slice %arg7[%mul3A_190] : memref<32768xf32, #tpu.memory_space<hbm>> -> memref<1024xf32, #tpu.memory_space<hbm>>
      %dma_start3A_194 = tpu.memref_slice %arg7[%mul3A_190] : memref<32768xf32, #tpu.memory_space<hbm>> -> memref<1024xf32, #tpu.memory_space<hbm>>
      tpu.enqueue_dma source(%arg15 : memref<1024xf32, #tpu.memory_space<vmem>>) target(%dma_start3A_194 : memref<1024xf32, #tpu.memory_space<hbm>>) target_semaphore(%run_scoped3A : memref<!tpu.dma_semaphore, #tpu.memory_space<semaphore_mem>>)
      %dma_wait3A_195 = tpu.memref_slice %arg7[%mul3A_190] : memref<32768xf32, #tpu.memory_space<hbm>> -> memref<1024xf32, #tpu.memory_space<hbm>>
      %dma_wait3A_196 = tpu.memref_slice %arg7[%mul3A_190] : memref<32768xf32, #tpu.memory_space<hbm>> -> memref<1024xf32, #tpu.memory_space<hbm>>
      tpu.wait_dma2 semaphore(%run_scoped3A : memref<!tpu.dma_semaphore, #tpu.memory_space<semaphore_mem>>) src(%arg15 : memref<1024xf32, #tpu.memory_space<vmem>>) dst(%dma_wait3A_196 : memref<1024xf32, #tpu.memory_space<hbm>>)
      tpu.yield
    }) : () -> ()
    %mul3A_191 = arith.constant 48 : i32
    %mul3A_192 = arith.muli %add3A, %mul3A_191 : i32
    "tpu.region"() ({
      %run_scoped3A = tpu.sem_alloc : memref<!tpu.dma_semaphore, #tpu.memory_space<semaphore_mem>>
      %dma_start3A_193 = tpu.memref_slice %arg8[%mul3A_192] : memref<1536xf32, #tpu.memory_space<hbm>> -> memref<48xf32, #tpu.memory_space<hbm>>
      %dma_start3A_194 = tpu.memref_slice %arg8[%mul3A_192] : memref<1536xf32, #tpu.memory_space<hbm>> -> memref<48xf32, #tpu.memory_space<hbm>>
      tpu.enqueue_dma source(%arg16 : memref<48xf32, #tpu.memory_space<vmem>>) target(%dma_start3A_194 : memref<48xf32, #tpu.memory_space<hbm>>) target_semaphore(%run_scoped3A : memref<!tpu.dma_semaphore, #tpu.memory_space<semaphore_mem>>)
      %dma_wait3A_195 = tpu.memref_slice %arg8[%mul3A_192] : memref<1536xf32, #tpu.memory_space<hbm>> -> memref<48xf32, #tpu.memory_space<hbm>>
      %dma_wait3A_196 = tpu.memref_slice %arg8[%mul3A_192] : memref<1536xf32, #tpu.memory_space<hbm>> -> memref<48xf32, #tpu.memory_space<hbm>>
      tpu.wait_dma2 semaphore(%run_scoped3A : memref<!tpu.dma_semaphore, #tpu.memory_space<semaphore_mem>>) src(%arg16 : memref<48xf32, #tpu.memory_space<vmem>>) dst(%dma_wait3A_196 : memref<48xf32, #tpu.memory_space<hbm>>)
      tpu.yield
    }) : () -> ()
    return
  }
}

module attributes {stable_mosaic.version = 14 : i64} {
  func.func @_tc_loss_body(%arg0: memref<32768xf32, #tpu.memory_space<vmem>>, %arg1: memref<1536xf32, #tpu.memory_space<vmem>>, %arg2: memref<1x1xf32, #tpu.memory_space<vmem>>, %arg3: memref<1x1xf32, #tpu.memory_space<vmem>>, %arg4: memref<1x1xf32, #tpu.memory_space<vmem>>) attributes {dimension_semantics = [], scalar_prefetch = 0 : i64, scratch_operands = 0 : i64, tpu.core_type = #tpu.core_type<tc>} {
    %get3A = arith.constant 0 : index
    %get3A_0 = vector.load %arg0[%get3A] : memref<32768xf32, #tpu.memory_space<vmem>>, vector<32768xf32>
    %neg3A = arith.constant 0.000000e+00 : f32
    %neg3A_1 = vector.broadcast %neg3A : f32 to vector<32768xf32>
    %neg3A_2 = arith.subf %neg3A_1, %get3A_0 : vector<32768xf32>
    %max3A = arith.constant 0.000000e+00 : f32
    %max3A_3 = vector.broadcast %max3A : f32 to vector<32768xf32>
    %max3A_4 = arith.maximumf %neg3A_2, %max3A_3 : vector<32768xf32>
    %abs3A = math.absf %neg3A_2 : vector<32768xf32>
    %neg3A_5 = arith.constant 0.000000e+00 : f32
    %neg3A_6 = vector.broadcast %neg3A_5 : f32 to vector<32768xf32>
    %neg3A_7 = arith.subf %neg3A_6, %abs3A : vector<32768xf32>
    %exp3A = math.exp %neg3A_7 : vector<32768xf32>
    %log1p3A = math.log1p %exp3A : vector<32768xf32>
    %add3A = arith.addf %max3A_4, %log1p3A : vector<32768xf32>
    %reduce_sum3A = vector.shape_cast %add3A : vector<32768xf32> to vector<1x32768xf32>
    %reduce_sum3A_8 = arith.constant dense<0.000000e+00> : vector<1xf32>
    %reduce_sum3A_9 = vector.multi_reduction <add>, %reduce_sum3A, %reduce_sum3A_8 [1] : vector<1x32768xf32> to vector<1xf32>
    %reduce_sum3A_10 = vector.shape_cast %reduce_sum3A_9 : vector<1xf32> to vector<1x1xf32>
    %reduce_sum3A_11 = vector.extract %reduce_sum3A_10[0, 0] : f32 from vector<1x1xf32>
    %mul3A = arith.constant 3.05175781E-5 : f32
    %mul3A_12 = arith.mulf %reduce_sum3A_11, %mul3A : f32
    %get3A_13 = arith.constant 0 : index
    %get3A_14 = vector.load %arg1[%get3A_13] : memref<1536xf32, #tpu.memory_space<vmem>>, vector<1536xf32>
    %reduce_sum3A_15 = vector.shape_cast %get3A_14 : vector<1536xf32> to vector<1x1536xf32>
    %reduce_sum3A_16 = arith.constant dense<0.000000e+00> : vector<1xf32>
    %reduce_sum3A_17 = vector.multi_reduction <add>, %reduce_sum3A_15, %reduce_sum3A_16 [1] : vector<1x1536xf32> to vector<1xf32>
    %reduce_sum3A_18 = vector.shape_cast %reduce_sum3A_17 : vector<1xf32> to vector<1x1xf32>
    %reduce_sum3A_19 = vector.extract %reduce_sum3A_18[0, 0] : f32 from vector<1x1xf32>
    %mul3A_20 = arith.constant 5.000000e-01 : f32
    %mul3A_21 = arith.mulf %reduce_sum3A_19, %mul3A_20 : f32
    %mul3A_22 = arith.constant 2.44140619E-8 : f32
    %mul3A_23 = arith.mulf %mul3A_22, %mul3A_21 : f32
    %broadcast_in_dim3A = arith.constant 1.000000e+00 : f32
    %broadcast_in_dim3A_24 = vector.broadcast %broadcast_in_dim3A : f32 to vector<1x1xf32>
    %mul3A_25 = vector.broadcast %mul3A_12 : f32 to vector<1x1xf32>
    %mul3A_26 = arith.mulf %mul3A_25, %broadcast_in_dim3A_24 : vector<1x1xf32>
    %swap3A = arith.constant 0 : index
    %swap3A_27 = arith.constant 0 : index
    %swap3A_28 = vector.load %arg2[%swap3A, %swap3A_27] : memref<1x1xf32, #tpu.memory_space<vmem>>, vector<1x1xf32>
    tpu.vector_store %arg2[%swap3A, %swap3A_27], %mul3A_26 {strides = array<i32>} : memref<1x1xf32, #tpu.memory_space<vmem>>, vector<1x1xf32>,
    %mul3A_29 = vector.broadcast %mul3A_23 : f32 to vector<1x1xf32>
    %mul3A_30 = arith.mulf %mul3A_29, %broadcast_in_dim3A_24 : vector<1x1xf32>
    %swap3A_31 = arith.constant 0 : index
    %swap3A_32 = arith.constant 0 : index
    %swap3A_33 = vector.load %arg3[%swap3A_31, %swap3A_32] : memref<1x1xf32, #tpu.memory_space<vmem>>, vector<1x1xf32>
    tpu.vector_store %arg3[%swap3A_31, %swap3A_32], %mul3A_30 {strides = array<i32>} : memref<1x1xf32, #tpu.memory_space<vmem>>, vector<1x1xf32>,
    %add3A_34 = arith.addf %mul3A_12, %mul3A_23 : f32
    %mul3A_35 = vector.broadcast %add3A_34 : f32 to vector<1x1xf32>
    %mul3A_36 = arith.mulf %mul3A_35, %broadcast_in_dim3A_24 : vector<1x1xf32>
    %swap3A_37 = arith.constant 0 : index
    %swap3A_38 = arith.constant 0 : index
    %swap3A_39 = vector.load %arg4[%swap3A_37, %swap3A_38] : memref<1x1xf32, #tpu.memory_space<vmem>>, vector<1x1xf32>
    tpu.vector_store %arg4[%swap3A_37, %swap3A_38], %mul3A_36 {strides = array<i32>} : memref<1x1xf32, #tpu.memory_space<vmem>>, vector<1x1xf32>,
    return
  }
}

</mosaic_0001>

<sc_bundles>
// kernel: kernel.4.cloned.1.call-start
scs
__scs_entry_jumppad:
0x0: {  	(pc) =	sbr.rel $0x88, $3  }
0x1: {  	(tag) =	ssettag $0x0;
	lr =	simm.s32 $0x1  }
0x2: {  	[smem:$0x3F9C] =	sst lr;
	_ =	strace $0xD0000000  }
0x3: {  	_ = 	snop  }
0x4: {  	_ = 	snop  }
0x5: {  	_ = 	snop  }
0x6: {  	_ = 	snop  }
0x7: {  	_ = 	snop  }
__scs_overlays_trampoline_lowered:
0x8: {  	[smem:$0x3FAB] =	sst s0  }
0x9: {  	[smem:$0x3FAC] =	sst s1  }
0xa: {  	[smem:$0x3FAD] =	sst s2  }
0xb: {  	[smem:$0x3FAE] =	sst s3  }
0xc: {  	[smem:$0x3FAF] =	sst s4  }
0xd: {  	[smem:$0x3FB0] =	sst s5  }
0xe: {  	[smem:$0x3FB1] =	sst s6  }
0xf: {  	[smem:$0x3FB2] =	sst s7  }
0x10: {  	[smem:$0x3FB3] =	sst s8  }
0x11: {  	[smem:$0x3FB4] =	sst s9;
	s0 =	simm.s32 @!p0 $0x0  }
0x12: {  	s1 =	sld [smem:$0x3F9A];
	s0 =	simm.s32 @p0 $0x1  }
0x13: {  	[smem:$0x3FB5] =	sst s0;
	s0 =	simm.s32 @!p1 $0x0  }
0x14: {  	s2 =	sld [smem:$0x3F99];
	s0 =	simm.s32 @p1 $0x1  }
0x15: {  	[smem:$0x3FB6] =	sst s0;
	s0 =	simm.s32 @!p2 $0x0  }
0x16: {  	s3 =	sld [smem:$0x3FDB];
	s0 =	simm.s32 @p2 $0x1  }
0x17: {  	s4 =	simm.s32 $0x1BF5;
	[smem:$0x3FB8] =	sst s0  }
0x18: {  	s0 =	sld [smem:$0x3F9B];
	_ =	swait.ge [sflag:s4], $0x0  }
0x19: {  	s7 =	sld [smem:$0x3F9C]  }
0x1a: {  	s8 =	sadd.s32 $0xFFFFE003, lr  }
0x1b: {  	s9 =	sadd.s32 $0xFFFFFEF7, lr;
	s5 =	simm.s32 $0xFFFFFFFF;
	p2 =	slt.u32 s8, $0xFFFFF086  }
0x1c: {  	p1 =	slt.u32 s9, $0xF7A;
	s5 =	simm.s32 @!p2 $0x0  }
0x1d: {  	s5 =	simm.s32 @p1 $0x1;
	p0 =	seq.s32 s7, s2  }
0x1e: {  	s7 =	smul.u32 @!p0 $0xF7A, s2;
	p2 =	seq.s32 @!p0 s5, $0x0  }
0x1f: {  	s9 =	smul.u32 $0xF7A, s1;
	s8 =	simm.s32 @!p0 $0x1BF5;
	p2 =	por !p2, p0  }
0x20: {  	[sflag:s8] =	ssyncset.s32 @!p0 $0xFFFFF086;
	s6 =	sadd.s32 @!p0 s3, s7;
	s7 =	simm.s32 @!p0 $0x108  }
0x21: {  	s3 =	sadd.s32 s3, s9;
	s6 =	sadd.s32 @!p0 $0x88, s6;
	s7 =	simm.s32 @p2 $0x1082  }
0x22: {  	[simem:s7], [sflag:s8] =	dma.local @!p0 [hbm:s6], $0xF7A  }
0x23: {  	s9 =	sor.u32 $0xD0000000, s2;
	s6 =	simm.s32 $0x108;
	_ =	swait.ge @!p0 [sflag:s8], $0x0  }
0x24: {  	s3 =	sadd.s32 $0x88, s3;
	s6 =	simm.s32 @!p1 $0x1082;
	[sflag:s4] =	ssyncset.s32 $0xFFFFF086  }
0x25: {  	[simem:s6], [sflag:s4] =	dma.local [hbm:s3], $0xF7A  }
0x26: {  	[smem:$0x3F9C] =	sst s1;
	(tag) =	ssettag s2;
	_ =	strace s9  }
0x27: {  	s1 =	sld [smem:$0x3FAC]  }
0x28: {  	s2 =	sld [smem:$0x3FAD]  }
0x29: {  	s4 =	sld [smem:$0x3FAF]  }
0x2a: {  	p0 =	seq.s32 s5, $0x0;
	s5 =	sld [smem:$0x3FB0]  }
0x2b: {  	s6 =	sld [smem:$0x3FB1]  }
0x2c: {  	s7 =	sld [smem:$0x3FB2]  }
0x2d: {  	s3 =	simm.s32 $0x108;
	s8 =	sld [smem:$0x3FB3]  }
0x2e: {  	s3 =	simm.s32 @!p0 $0x1082;
	s9 =	sld [smem:$0x3FB4]  }
0x2f: {  	lr =	sadd.s32 s0, s3;
	s0 =	sld [smem:$0x3FAB]  }
0x30: {  	s3 =	sld [smem:$0x3FAE]  }
0x31: {  	[smem:$0x3FB7] =	sst s10  }
0x32: {  	s10 =	sld [smem:$0x3FB5];
	_ =	sdelay $0x3  }
0x33: {  	p0 =	seq.s32 s10, $0x1;
	s10 =	sld [smem:$0x3FB7];
	_ =	sdelay $0x3  }
0x34: {  	[smem:$0x3FB7] =	sst s10  }
0x35: {  	s10 =	sld [smem:$0x3FB6];
	_ =	sdelay $0x3  }
0x36: {  	p1 =	seq.s32 s10, $0x1;
	s10 =	sld [smem:$0x3FB7];
	_ =	sdelay $0x3  }
0x37: {  	[smem:$0x3FB7] =	sst s10  }
0x38: {  	s10 =	sld [smem:$0x3FB8]  }
0x39: {  	_ = 	snop;
	(pc) =	sbr.ind lr, $3  }
0x3a: {  	_ = 	snop  }
0x3b: {  	_ = 	snop  }
0x3c: {  	p2 =	seq.s32 s10, $0x1;
	s10 =	sld [smem:$0x3FB7]  }
0x3d: {  	_ =	shalt  }
0x3e: {  	_ =	shalt  }
0x3f: {  	_ =	shalt  }
0x40: {  	_ =	shalt  }
0x41: {  	_ =	shalt  }
0x42: {  	_ =	shalt  }
0x43: {  	_ =	shalt  }
0x44: {  	_ =	shalt  }
0x45: {  	_ =	shalt  }
0x46: {  	_ =	shalt  }
0x47: {  	_ =	shalt  }
0x48: {  	_ =	shalt  }
0x49: {  	_ =	shalt  }
0x4a: {  	_ =	shalt  }
0x4b: {  	_ =	shalt  }
0x4c: {  	_ =	shalt  }
0x4d: {  	_ =	shalt  }
0x4e: {  	_ =	shalt  }
0x4f: {  	_ =	shalt  }
0x50: {  	_ =	shalt  }
0x51: {  	_ =	shalt  }
0x52: {  	_ =	shalt  }
0x53: {  	_ =	shalt  }
0x54: {  	_ =	shalt  }
0x55: {  	_ =	shalt  }
0x56: {  	_ =	shalt  }
0x57: {  	_ =	shalt  }
0x58: {  	_ =	shalt  }
0x59: {  	_ =	shalt  }
0x5a: {  	_ =	shalt  }
0x5b: {  	_ =	shalt  }
0x5c: {  	_ =	shalt  }
0x5d: {  	_ =	shalt  }
0x5e: {  	_ =	shalt  }
0x5f: {  	_ =	shalt  }
0x60: {  	_ =	shalt  }
0x61: {  	_ =	shalt  }
0x62: {  	_ =	shalt  }
0x63: {  	_ =	shalt  }
0x64: {  	_ =	shalt  }
0x65: {  	_ =	shalt  }
0x66: {  	_ =	shalt  }
0x67: {  	_ =	shalt  }
0x68: {  	_ =	shalt  }
0x69: {  	_ =	shalt  }
0x6a: {  	_ =	shalt  }
0x6b: {  	_ =	shalt  }
0x6c: {  	_ =	shalt  }
0x6d: {  	_ =	shalt  }
0x6e: {  	_ =	shalt  }
0x6f: {  	_ =	shalt  }
0x70: {  	_ =	shalt  }
0x71: {  	_ =	shalt  }
0x72: {  	_ =	shalt  }
0x73: {  	_ =	shalt  }
0x74: {  	_ =	shalt  }
0x75: {  	_ =	shalt  }
0x76: {  	_ =	shalt  }
0x77: {  	_ =	shalt  }
0x78: {  	_ =	shalt  }
0x79: {  	_ =	shalt  }
0x7a: {  	_ =	shalt  }
0x7b: {  	_ =	shalt  }
0x7c: {  	_ =	shalt  }
0x7d: {  	_ =	shalt  }
0x7e: {  	_ =	shalt  }
0x7f: {  	_ =	shalt  }
0x80: {  	_ =	shalt  }
0x81: {  	_ =	shalt  }
0x82: {  	_ =	shalt  }
0x83: {  	_ =	shalt  }
0x84: {  	_ =	shalt  }
0x85: {  	_ =	shalt  }
0x86: {  	_ =	shalt  }
0x87: {  	_ =	shalt  }
.Lfunc_end0:
.L_simem_size_0:
called_computation_lowered:
.L_overlay_start_0:
0x88: {  	s2 =	sld [smem:$0x3FD9]  }
0x89: {  	s3 =	sld [smem:$0x3FFE];
	_ =	sdelay $0x1  }
0x8a: {  	s1 =	srdreg.scid  }
0x8b: {  	s0 =	sand.u32 $0x1, s1  }
0x8c: {  	s14 =	sshll.u32 s0, $0xA;
	s2 =	sadd.s32 s3, s2  }
0x8d: {  	s2 =	sadd.s32 s2, s14  }
0x8e: {  	[smem:$0x3FC3] =	sst s2  }
0x8f: {  	_ = 	snop  }
0x90: {  	s2 =	sld [smem:$0x3FD0];
	_ =	sdelay $0x1  }
0x91: {  	s15 =	sld [smem:$0x3FC7]  }
0x92: {  	s5 =	simm.s32 $0xA;
	s6 =	simm.s32 $0x10;
	s4 =	sld [smem:$0x3FC6]  }
0x93: {  	[smem:s6], [sflag:s5] =	dma.local [hbm:s2], $0x1  }
0x94: {  	_ =	swait.eq [sflag:s5], $0x1  }
0x95: {  	[sflag:s5] =	ssyncset.done $0x0  }
0x96: {  	[sflag:s5] =	ssyncadd.s32 $0xFFFFFFFF  }
0x97: {  	s16 =	sld [smem:$0x13];
	(tm) =	ssettm $0x1  }
0x98: {  	s17 =	sld [smem:$0x3FFB];
	_ =	sdelay $0x3  }
0x99: {  	_ =	strace s17  }
0x9a: {  	s5 =	sld [smem:$0x3FFC];
	_ =	sdelay $0x3  }
0x9b: {  	_ =	strace s5  }
0x9c: {  	s5 =	sld [smem:$0x3FFD];
	_ =	sdelay $0x3  }
0x9d: {  	_ =	strace s5  }
0x9e: {  	_ =	strace $0x8FFFFFFF  }
0x9f: {  	s18 =	sld [smem:$0x3FDB];
	_ =	sdelay $0x1  }
0xa0: {  	s19 =	simm.s32 $_scs_section_size  }
0xa1: {  	s7 =	simm.s32 $_size__tile_overlayer_lowered;
	s8 =	simm.s32 $_tile_overlayer_lowered  }
0xa2: {  	s22 =	simm.s32 $0x1BFF;
	s21 =	sshll.u32 s8, $0x1;
	s5 =	sadd.s32 s19, s18  }
0xa3: {  	s9 =	simm.s32 $0x0;
	s20 =	sshll.u32 s7, $0x1;
	s7 =	sadd.s32 s21, s5  }
0xa4: {  	[timem:s9], [sflag:s22] =	dma.local [hbm:s7], s20  }
0xa5: {  	_ =	swait.ge [sflag:s22], s20  }
0xa6: {  	s6 =	ssub.s32 $0x0, s20;
	[sflag:s22] =	ssyncset.done $0x0  }
0xa7: {  	[sflag:s22] =	ssyncadd.s32 s6;
	_ =	sdelay $0x1  }
0xa8: {  	s23 =	simm.s32 $0x1B8B  }
0xa9: {  	_ =	swait.ge [sflag:s23], $0x1  }
0xaa: {  	[sflag:s23] =	ssyncset.done $0x0  }
0xab: {  	s25 =	simm.s32 $0x1B8E;
	s24 =	sld [smem:$0x3FFE];
	[sflag:s23] =	ssyncadd.s32 $0xFFFFFFFF  }
0xac: {  	s26 =	simm.s32 $execute0_lowered;
	[smem:$0x3FD2] =	sst s25  }
0xad: {  	s7 =	sshll.u32 s26, $0x1;
	_ =	strace $0x80000046;
	[dreg:$0x1] =	wrdreg $0xFFFFFFFF  }
0xae: {  	s28 =	simm.s32 $_size_execute0_lowered;
	s5 =	sadd.s32 s5, s7;
	[dreg:$0x0] =	wrdreg $0x0  }
0xaf: {  	s7 =	sshll.u32 s28, $0x1;
	[dreg:$0x2] =	wrdreg s5  }
0xb0: {  	[dreg:$0x3] =	wrdreg s7  }
0xb1: {  	[dreg:$0x4] =	wrdreg $0xC0  }
0xb2: {  	_ =	task [dreg:s9], $0x5FFFF  }
0xb3: {  	[dreg:$0x1] =	wrdreg $0xFFFFFFFF  }
0xb4: {  	[dreg:$0x0] =	wrdreg $0x60  }
0xb5: {  	[dreg:$0x2] =	wrdreg s15  }
0xb6: {  	[dreg:$0x3] =	wrdreg s4  }
0xb7: {  	[dreg:$0x4] =	wrdreg s16  }
0xb8: {  	[dreg:$0x5] =	wrdreg s24  }
0xb9: {  	[dreg:$0x6] =	wrdreg $0x9  }
0xba: {  	_ =	task.clear_ibuf [dreg:s9], $0x7FFFF;
	_ =	strace $0x90000046  }
0xbb: {  	s29 =	simm.s32 $0x9;
	_ =	strace $0x80000048  }
0xbc: {  	_ =	swait.ge [sflag:s29], $0x1  }
0xbd: {  	[sflag:s29] =	ssyncadd.s32 $0xFFFFFFFF  }
0xbe: {  	_ =	strace $0x90000048  }
0xbf: {  	_ =	sfence  }
0xc0: {  	s30 =	sld [smem:$0x0];
	_ =	sdelay $0x2  }
0xc1: {  	s31 =	sshll.u32 s1, $0xD;
	s1 =	sshrl.u32 s1, $0x2  }
0xc2: {  	s3 =	sand.u32 $0x4000, s31;
	s1 =	sadd.s32 s1, s30  }
0xc3: {  	s0 =	sor.u32 s3, s0;
	s1 =	sshll.u32 s1, $0x11  }
0xc4: {  	s0 =	sor.u32 s1, s0  }
0xc5: {  	s0 =	sadd.s32 $0x8F2B, s0  }
0xc6: {  	[sflag:s0] =	ssyncadd.remote.s32 $0x1  }
0xc7: {  	_ =	sfence.sel $0xFFFF  }
0xc8: {  	[dreg:$0x0] =	wrdreg $0xFFFFFFFF;
	(pc) =	sbr.abs _section_cstart, $3  }
0xc9: {  	[dreg:$0x1] =	wrdreg $0xFFFFFFFF  }
0xca: {  	_ =	task.clear_ibuf [dreg:s9], $0x2FFFF;
	_ =	strace $0x9FFFFFFF  }
0xcb: {  	(tm) =	ssettm $0x7FFFFFFF  }
tec
execute0_lowered:
.L_overlay_start_1:
0x0: {  	(tag) =	ssettag $0x1  }
0x1: {  	s0 =	rddreg [dreg:$0x0]  }
0x2: {  	s1 =	rddreg [dreg:$0x1]  }
0x3: {  	s7 =	rddreg [dreg:$0x2]  }
0x4: {  	s5 =	rddreg [dreg:$0x3];
	s2 =	simm.s32 $0x0  }
0x5: {  	s3 =	srdreg.scid;
	s6 =	stileid.u32;
	s13 =	simm.s32 $0x100  }
0x6: {  	s22 =	simm.s32 $0xA500;
	s23 =	simm.s32 $0x300;
	s24 =	simm.s32 $0xC500  }
0x7: {  	s25 =	simm.s32 $0x380;
	s26 =	simm.s32 $0xE500;
	s28 =	simm.s32 $0x400  }
0x8: {  	s29 =	simm.s32 $0x10500;
	s30 =	simm.s32 $0x480;
	s31 =	simm.s32 $0x12500  }
0x9: {  	s14 =	simm.s32 $0x14900;
	s15 =	simm.s32 $0x0;
	[smem:$0x7FF] =	sst s2  }
0xa: {  	s4 =	sand.u32 $0x1, s3;
	s6 =	sshll.u32 s6, $0x1;
	s3 =	sadd.s32 $0x24CC00, s5  }
0xb: {  	_ =	strace $0x80000047;
	s6 =	sor.u32 s4, s6;
	s10 =	ssub.s32 $0x2, s4  }
0xc: {  	s4 =	sadd.s32 $0x189600, s5;
	s8 =	sshll.u32 s6, $0x7;
	s9 =	smul.u32 $0x6, s6  }
0xd: {  	s12 =	sshrl.u32 s10, $0x1;
	s6 =	sshll.u32 s6, $0x4;
	s11 =	sadd.s32 s8, s5  }
0xe: {  	s10 =	ssub.s32 s10, s12;
	s7 =	sadd.s32 s7, s8;
	s12 =	simm.s32 $0x80  }
0xf: {  	s9 =	sadd.s32 s9, s5;
	s5 =	sadd.s32 s0, s6;
	s6 =	sadd.s32 s1, s6  }
0x10: {  	v0 =	vlaneseq.u32;
	s8 =	sadd.s32 $0x2C00, s11;
	s10 =	smax.u32 s10, $0x1;
	s11 =	simm.s32 $0x2  }
0x11: {  	vm0 =	vcmask $0x3F3C;
	v36 =	vimm.f32 $0.0e+00;
	v1 =	vand.u32 $0x7, v0;
	s0 =	simm.s32 $0x1;
	s1 =	simm.s32 $0x14500;
	s9 =	sadd.s32 $0x3C00, s9  }
.LBB2_1:
0x12: {  	[tilespmem:s2], [sflag:$0x2] =	stream.linear.gather [hbm4b:s5+s2], $0x80, $0x38;
	[tilespmem:$0x14930] =	vst v63  }
0x13: {  	_ =	swait.ge [sflag:s11], $0x80  }
0x14: {  	[sflag:s11] =	ssyncset.done $0x0  }
0x15: {  	[sflag:s11] =	ssyncadd.s32 $0xFFFFFF80  }
0x16: {  	[tilespmem:s12], [sflag:$0x2] =	stream.linear.gather [hbm4b:s6+s2], $0x80, $0x38;
	[tilespmem:$0x14930] =	vst v63  }
0x17: {  	_ =	swait.ge [sflag:s11], $0x80  }
0x18: {  	[sflag:s11] =	ssyncset.done $0x0  }
0x19: {  	[sflag:s11] =	ssyncadd.s32 $0xFFFFFF80  }
0x1a: {  	[tilespmem:s13], [sflag:$0x2] =	stream.linear.gather [hbm4b:s7+s2], $0x400, $0x38;
	[tilespmem:$0x14930] =	vst v63  }
0x1b: {  	_ =	swait.ge [sflag:s11], $0x400  }
0x1c: {  	[sflag:s11] =	ssyncset.done $0x0  }
0x1d: {  	s16 =	simm.s32 $0x500;
	[sflag:s11] =	ssyncadd.s32 $0xFFFFFC00  }
0x1e: {  	[tilespmem:s16], [sflag:$0x1] =	stream.indirect.gather [hbm4b:s3+s12], $0x40, s2, s12, $0xb8;
	[tilespmem:$0x14930] =	vst v63  }
0x1f: {  	s19 =	simm.s32 $0x2500  }
0x20: {  	[tilespmem:s19], [sflag:$0x1] =	stream.indirect.gather [hbm4b:s4+s12], $0x40, s12, s12, $0xb8;
	[tilespmem:$0x14930] =	vst v63  }
0x21: {  	s20 =	simm.s32 $0x4500  }
0x22: {  	[tilespmem:s20], [sflag:$0x1] =	stream.indirect.gather [hbm4b:s4+s12], $0x40, s13, s12, $0xb8;
	[tilespmem:$0x14930] =	vst v63  }
0x23: {  	s21 =	simm.s32 $0x180;
	s17 =	simm.s32 $0x6500  }
0x24: {  	[tilespmem:s17], [sflag:$0x1] =	stream.indirect.gather [hbm4b:s4+s12], $0x40, s21, s12, $0xb8;
	[tilespmem:$0x14930] =	vst v63  }
0x25: {  	s18 =	simm.s32 $0x200;
	s19 =	simm.s32 $0x8500  }
0x26: {  	[tilespmem:s19], [sflag:$0x1] =	stream.indirect.gather [hbm4b:s4+s12], $0x40, s18, s12, $0xb8;
	[tilespmem:$0x14930] =	vst v63  }
0x27: {  	s20 =	simm.s32 $0x280  }
0x28: {  	[tilespmem:s22], [sflag:$0x1] =	stream.indirect.gather [hbm4b:s4+s12], $0x40, s20, s12, $0xb8;
	[tilespmem:$0x14930] =	vst v63  }
0x29: {  	_ = 	snop  }
0x2a: {  	[tilespmem:s24], [sflag:$0x1] =	stream.indirect.gather [hbm4b:s4+s12], $0x40, s23, s12, $0xb8;
	[tilespmem:$0x14930] =	vst v63  }
0x2b: {  	_ = 	snop  }
0x2c: {  	[tilespmem:s26], [sflag:$0x1] =	stream.indirect.gather [hbm4b:s4+s12], $0x40, s25, s12, $0xb8;
	[tilespmem:$0x14930] =	vst v63  }
0x2d: {  	_ = 	snop  }
0x2e: {  	[tilespmem:s29], [sflag:$0x1] =	stream.indirect.gather [hbm4b:s4+s12], $0x40, s28, s12, $0xb8;
	[tilespmem:$0x14930] =	vst v63  }
0x2f: {  	_ = 	snop  }
0x30: {  	[tilespmem:s31], [sflag:$0x1] =	stream.indirect.gather [hbm4b:s4+s12], $0x40, s30, s12, $0xb8;
	[tilespmem:$0x14930] =	vst v63  }
0x31: {  	_ =	swait.ge [sflag:s0], $0x2000  }
0x32: {  	[sflag:s0] =	ssyncset.done $0x0  }
0x33: {  	[sflag:s0] =	ssyncadd.s32 $0xFFFFE000  }
0x34: {  	_ =	swait.ge [sflag:s0], $0x2000  }
0x35: {  	[sflag:s0] =	ssyncset.done $0x0  }
0x36: {  	[sflag:s0] =	ssyncadd.s32 $0xFFFFE000  }
0x37: {  	_ =	swait.ge [sflag:s0], $0x2000  }
0x38: {  	[sflag:s0] =	ssyncset.done $0x0  }
0x39: {  	[sflag:s0] =	ssyncadd.s32 $0xFFFFE000  }
0x3a: {  	_ =	swait.ge [sflag:s0], $0x2000  }
0x3b: {  	[sflag:s0] =	ssyncset.done $0x0  }
0x3c: {  	[sflag:s0] =	ssyncadd.s32 $0xFFFFE000  }
0x3d: {  	_ =	swait.ge [sflag:s0], $0x2000  }
0x3e: {  	[sflag:s0] =	ssyncset.done $0x0  }
0x3f: {  	[sflag:s0] =	ssyncadd.s32 $0xFFFFE000  }
0x40: {  	_ =	swait.ge [sflag:s0], $0x2000  }
0x41: {  	[sflag:s0] =	ssyncset.done $0x0  }
0x42: {  	[sflag:s0] =	ssyncadd.s32 $0xFFFFE000  }
0x43: {  	_ =	swait.ge [sflag:s0], $0x2000  }
0x44: {  	[sflag:s0] =	ssyncset.done $0x0  }
0x45: {  	[sflag:s0] =	ssyncadd.s32 $0xFFFFE000  }
0x46: {  	_ =	swait.ge [sflag:s0], $0x2000  }
0x47: {  	[sflag:s0] =	ssyncset.done $0x0  }
0x48: {  	[sflag:s0] =	ssyncadd.s32 $0xFFFFE000  }
0x49: {  	_ =	swait.ge [sflag:s0], $0x2000  }
0x4a: {  	[sflag:s0] =	ssyncset.done $0x0  }
0x4b: {  	[sflag:s0] =	ssyncadd.s32 $0xFFFFE000  }
0x4c: {  	_ =	swait.ge [sflag:s0], $0x2000  }
0x4d: {  	[sflag:s0] =	ssyncset.done $0x0  }
0x4e: {  	s16 =	simm.s32 $0x4600;
	[sflag:s0] =	ssyncadd.s32 $0xFFFFE000  }
0x4f: {  	s17 =	simm.s32 $0x520;
	v10 =	vld [tilespmem:s16+$0xFFFFFF30]  }
0x50: {  	v4 =	vld [tilespmem:s17+$0xFFFFFFE0]  }
0x51: {  	v11 =	vld [tilespmem:s16+$0xFFFFFF20]  }
0x52: {  	s18 =	simm.s32 $0x2520;
	v12 =	vld [tilespmem:s16+$0xFFFFFF10]  }
0x53: {  	v8 =	vld [tilespmem:s18+$0xFFFFFFF0]  }
0x54: {  	v13 =	vld [tilespmem:s16+$0xFFFFFF00]  }
0x55: {  	v9 =	vld [tilespmem:s18+$0xFFFFFFE0]  }
0x56: {  	v7 =	vld [tilespmem:s18+$0x0]  }
0x57: {  	v6 =	vld [tilespmem:s17+$0xFFFFFFF0]  }
0x58: {  	v2 =	vld [tilespmem:s18+$0x10]  }
0x59: {  	v5 =	vld [tilespmem:s17+$0x0]  }
0x5a: {  	v14 =	vsub.f32 v8, v12;
	v15 =	vsub.f32 v9, v13  }
0x5b: {  	v3 =	vld [tilespmem:s17+$0x10]  }
0x5c: {  	v16 =	vsub.f32 v7, v11;
	v15 =	vmul.f32 v15, v4;
	v14 =	vmul.f32 v14, v6;
	_ =	sdelay $0x1  }
0x5d: {  	v17 =	vsub.f32 v2, v10;
	v14 =	vadd.f32 v14, v15;
	v15 =	vmul.f32 v16, v5;
	_ =	sdelay $0x1  }
0x5e: {  	v14 =	vadd.f32 v15, v14;
	v15 =	vmul.f32 v17, v3;
	_ =	sdelay $0x1  }
0x5f: {  	v14 =	vadd.f32 v15, v14;
	_ =	sdelay $0x1  }
0x60: {  	(xrf2) =	vadd.scan.msk.f32 $0xffff, v14;
	_ =	sdelay $0x4  }
0x61: {  	s19 =	simm.s32 $0xFFFFFFF1  }
0x62: {  	v14 =	vadd.s32 s19, v0;
	_ =	sdelay $0x3  }
0x63: {  	v15, _, _ =	vpop (xrf2)  }
0x64: {  	[tilespmem:v14+s1+$0x0] =	vst.idx.msk vm0, v15  }
0x65: {  	v14 =	vld [tilespmem:s16+$0xFFFFFF40]  }
0x66: {  	v15 =	vld [tilespmem:s16+$0xFFFFFF50];
	_ =	sdelay $0x1  }
0x67: {  	v16 =	vld [tilespmem:s16+$0xFFFFFF60];
	_ =	sdelay $0x1  }
0x68: {  	v17 =	vld [tilespmem:s16+$0xFFFFFF70]  }
0x69: {  	v18 =	vsub.f32 v9, v14;
	v19 =	vsub.f32 v8, v15;
	_ =	sdelay $0x1  }
0x6a: {  	v20 =	vsub.f32 v7, v16;
	v18 =	vmul.f32 v18, v4;
	v19 =	vmul.f32 v19, v6;
	_ =	sdelay $0x1  }
0x6b: {  	v41 =	vsub.f32 v2, v17;
	v20 =	vmul.f32 v20, v5;
	v18 =	vadd.f32 v19, v18;
	_ =	sdelay $0x1  }
0x6c: {  	v19 =	vmul.f32 v41, v3;
	v18 =	vadd.f32 v20, v18;
	_ =	sdelay $0x1  }
0x6d: {  	v18 =	vadd.f32 v19, v18;
	_ =	sdelay $0x1  }
0x6e: {  	(xrf2) =	vadd.scan.msk.f32 $0xffff, v18;
	_ =	sdelay $0x4  }
0x6f: {  	s20 =	simm.s32 $0xFFFFFFF2  }
0x70: {  	v42 =	vadd.s32 s20, v0;
	_ =	sdelay $0x3  }
0x71: {  	v43, _, _ =	vpop (xrf2)  }
0x72: {  	[tilespmem:v42+s1+$0x0] =	vst.idx.msk vm0, v43  }
0x73: {  	v18 =	vld [tilespmem:s16+$0xFFFFFF80]  }
0x74: {  	v19 =	vld [tilespmem:s16+$0xFFFFFF90];
	_ =	sdelay $0x1  }
0x75: {  	v44 =	vld [tilespmem:s16+$0xFFFFFFA0];
	_ =	sdelay $0x1  }
0x76: {  	v21 =	vld [tilespmem:s16+$0xFFFFFFB0]  }
0x77: {  	v22 =	vsub.f32 v9, v18;
	v23 =	vsub.f32 v8, v19;
	_ =	sdelay $0x1  }
0x78: {  	v24 =	vsub.f32 v7, v44;
	v22 =	vmul.f32 v22, v4;
	v23 =	vmul.f32 v23, v6;
	_ =	sdelay $0x1  }
0x79: {  	v46 =	vsub.f32 v2, v21;
	v45 =	vmul.f32 v24, v5;
	v22 =	vadd.f32 v23, v22;
	_ =	sdelay $0x1  }
0x7a: {  	v47 =	vmul.f32 v46, v3;
	v22 =	vadd.f32 v45, v22;
	_ =	sdelay $0x1  }
0x7b: {  	v22 =	vadd.f32 v47, v22;
	_ =	sdelay $0x1  }
0x7c: {  	(xrf2) =	vadd.scan.msk.f32 $0xffff, v22;
	_ =	sdelay $0x4  }
0x7d: {  	s21 =	simm.s32 $0xFFFFFFF3  }
0x7e: {  	v48 =	vadd.s32 s21, v0;
	_ =	sdelay $0x3  }
0x7f: {  	v49, _, _ =	vpop (xrf2)  }
0x80: {  	[tilespmem:v48+s1+$0x0] =	vst.idx.msk vm0, v49  }
0x81: {  	v22 =	vld [tilespmem:s16+$0xFFFFFFC0]  }
0x82: {  	v23 =	vld [tilespmem:s16+$0xFFFFFFD0];
	_ =	sdelay $0x1  }
0x83: {  	v50 =	vld [tilespmem:s16+$0xFFFFFFE0];
	_ =	sdelay $0x1  }
0x84: {  	v25 =	vld [tilespmem:s16+$0xFFFFFFF0]  }
0x85: {  	v26 =	vsub.f32 v9, v22;
	v27 =	vsub.f32 v8, v23;
	_ =	sdelay $0x1  }
0x86: {  	v28 =	vsub.f32 v7, v50;
	v26 =	vmul.f32 v26, v4;
	v27 =	vmul.f32 v27, v6;
	_ =	sdelay $0x1  }
0x87: {  	v52 =	vsub.f32 v2, v25;
	v51 =	vmul.f32 v28, v5;
	v26 =	vadd.f32 v27, v26;
	_ =	sdelay $0x1  }
0x88: {  	v53 =	vmul.f32 v52, v3;
	v26 =	vadd.f32 v51, v26;
	_ =	sdelay $0x1  }
0x89: {  	v26 =	vadd.f32 v53, v26;
	_ =	sdelay $0x1  }
0x8a: {  	(xrf2) =	vadd.scan.msk.f32 $0xffff, v26;
	_ =	sdelay $0x4  }
0x8b: {  	s21 =	simm.s32 $0xFFFFFFF4  }
0x8c: {  	v54 =	vadd.s32 s21, v0;
	_ =	sdelay $0x3  }
0x8d: {  	v55, _, _ =	vpop (xrf2)  }
0x8e: {  	[tilespmem:v54+s1+$0x0] =	vst.idx.msk vm0, v55  }
0x8f: {  	v26 =	vld [tilespmem:s16+$0x0]  }
0x90: {  	v27 =	vld [tilespmem:s16+$0x10];
	_ =	sdelay $0x1  }
0x91: {  	v56 =	vld [tilespmem:s16+$0x20];
	_ =	sdelay $0x1  }
0x92: {  	v29 =	vld [tilespmem:s16+$0x30]  }
0x93: {  	v30 =	vsub.f32 v9, v26;
	v31 =	vsub.f32 v8, v27;
	_ =	sdelay $0x1  }
0x94: {  	v32 =	vsub.f32 v7, v56;
	v30 =	vmul.f32 v30, v4;
	v31 =	vmul.f32 v31, v6;
	_ =	sdelay $0x1  }
0x95: {  	v58 =	vsub.f32 v2, v29;
	v57 =	vmul.f32 v32, v5;
	v30 =	vadd.f32 v31, v30;
	_ =	sdelay $0x1  }
0x96: {  	v59 =	vmul.f32 v58, v3;
	v30 =	vadd.f32 v57, v30;
	_ =	sdelay $0x1  }
0x97: {  	v30 =	vadd.f32 v59, v30;
	_ =	sdelay $0x1  }
0x98: {  	(xrf2) =	vadd.scan.msk.f32 $0xffff, v30;
	_ =	sdelay $0x4  }
0x99: {  	s21 =	simm.s32 $0xFFFFFFF5  }
0x9a: {  	v60 =	vadd.s32 s21, v0;
	_ =	sdelay $0x3  }
0x9b: {  	v61, _, _ =	vpop (xrf2)  }
0x9c: {  	[tilespmem:v60+s1+$0x0] =	vst.idx.msk vm0, v61  }
0x9d: {  	v30 =	vld [tilespmem:s16+$0x40]  }
0x9e: {  	v31 =	vld [tilespmem:s16+$0x50];
	_ =	sdelay $0x1  }
0x9f: {  	v62 =	vld [tilespmem:s16+$0x60];
	_ =	sdelay $0x1  }
0xa0: {  	v13 =	vmul.f32 v13, v13;
	v33 =	vld [tilespmem:s16+$0x70]  }
0xa1: {  	v34 =	vsub.f32 v9, v30;
	v35 =	vsub.f32 v8, v31  }
0xa2: {  	v12 =	vmul.f32 v12, v12;
	v13 =	vadd.f32 v13, v36  }
0xa3: {  	v37 =	vsub.f32 v7, v62;
	v34 =	vmul.f32 v34, v4;
	v35 =	vmul.f32 v35, v6  }
0xa4: {  	v11 =	vmul.f32 v11, v11;
	v12 =	vadd.f32 v12, v13  }
0xa5: {  	v63 =	vsub.f32 v2, v33;
	v37 =	vmul.f32 v37, v5;
	v34 =	vadd.f32 v35, v34  }
0xa6: {  	v10 =	vmul.f32 v10, v10;
	v11 =	vadd.f32 v11, v12  }
0xa7: {  	v39 =	vmul.f32 v63, v3;
	v13 =	vadd.f32 v37, v34  }
0xa8: {  	v10 =	vadd.f32 v10, v11;
	v40 =	vmul.f32 v14, v14  }
0xa9: {  	v12 =	vadd.f32 v39, v13  }
0xaa: {  	v10 =	vadd.f32 v40, v10;
	v41 =	vmul.f32 v15, v15  }
0xab: {  	(xrf2) =	vadd.scan.msk.f32 $0xffff, v12  }
0xac: {  	v10 =	vadd.f32 v41, v10;
	v42 =	vmul.f32 v16, v16;
	_ =	sdelay $0x1  }
0xad: {  	v10 =	vadd.f32 v42, v10;
	v12 =	vmul.f32 v17, v17;
	_ =	sdelay $0x1  }
0xae: {  	s21 =	simm.s32 $0xFFFFFFF6;
	v10 =	vadd.f32 v12, v10;
	v12 =	vmul.f32 v18, v18  }
0xaf: {  	v43 =	vadd.s32 s21, v0  }
0xb0: {  	v10 =	vadd.f32 v12, v10;
	v12 =	vmul.f32 v19, v19;
	_ =	sdelay $0x1  }
0xb1: {  	v10 =	vadd.f32 v12, v10;
	v12 =	vmul.f32 v44, v44  }
0xb2: {  	v13, _, _ =	vpop (xrf2)  }
0xb3: {  	v10 =	vadd.f32 v12, v10;
	v12 =	vmul.f32 v21, v21;
	[tilespmem:v43+s1+$0x0] =	vst.idx.msk vm0, v13  }
0xb4: {  	v11 =	vld [tilespmem:s16+$0x80]  }
0xb5: {  	v10 =	vadd.f32 v12, v10;
	v12 =	vmul.f32 v22, v22;
	v13 =	vld [tilespmem:s16+$0x90];
	_ =	sdelay $0x1  }
0xb6: {  	v14 =	vld [tilespmem:s16+$0xA0];
	v10 =	vadd.f32 v12, v10;
	v12 =	vmul.f32 v23, v23;
	_ =	sdelay $0x1  }
0xb7: {  	v15 =	vld [tilespmem:s16+$0xB0];
	v10 =	vadd.f32 v12, v10;
	v12 =	vmul.f32 v50, v50  }
0xb8: {  	v44 =	vsub.f32 v9, v11;
	v45 =	vsub.f32 v8, v13  }
0xb9: {  	v10 =	vadd.f32 v12, v10;
	v12 =	vmul.f32 v25, v25  }
0xba: {  	v46 =	vsub.f32 v7, v14;
	v16 =	vmul.f32 v44, v4;
	v17 =	vmul.f32 v45, v6  }
0xbb: {  	v10 =	vadd.f32 v12, v10;
	v12 =	vmul.f32 v26, v26  }
0xbc: {  	v47 =	vsub.f32 v2, v15;
	v18 =	vmul.f32 v46, v5;
	v16 =	vadd.f32 v17, v16  }
0xbd: {  	v10 =	vadd.f32 v12, v10  }
0xbe: {  	v12 =	vmul.f32 v27, v27;
	v17 =	vmul.f32 v47, v3;
	v16 =	vadd.f32 v18, v16;
	_ =	sdelay $0x1  }
0xbf: {  	v10 =	vadd.f32 v12, v10;
	v12 =	vmul.f32 v56, v56;
	v16 =	vadd.f32 v17, v16;
	_ =	sdelay $0x1  }
0xc0: {  	v10 =	vadd.f32 v12, v10;
	v12 =	vmul.f32 v29, v29;
	(xrf2) =	vadd.scan.msk.f32 $0xffff, v16;
	_ =	sdelay $0x1  }
0xc1: {  	v10 =	vadd.f32 v12, v10;
	v12 =	vmul.f32 v30, v30;
	_ =	sdelay $0x1  }
0xc2: {  	v10 =	vadd.f32 v12, v10;
	v12 =	vmul.f32 v31, v31  }
0xc3: {  	s21 =	simm.s32 $0xFFFFFFF7  }
0xc4: {  	v48 =	vadd.s32 s21, v0;
	v10 =	vadd.f32 v12, v10;
	v12 =	vmul.f32 v62, v62;
	_ =	sdelay $0x1  }
0xc5: {  	v10 =	vadd.f32 v12, v10;
	v12 =	vmul.f32 v33, v33;
	_ =	sdelay $0x1  }
0xc6: {  	v11 =	vmul.f32 v11, v11;
	v10 =	vadd.f32 v12, v10;
	v49, _, _ =	vpop (xrf2)  }
0xc7: {  	[tilespmem:v48+s1+$0x0] =	vst.idx.msk vm0, v49  }
0xc8: {  	v13 =	vmul.f32 v13, v13;
	v10 =	vadd.f32 v11, v10;
	v12 =	vld [tilespmem:s16+$0xD0]  }
0xc9: {  	v50 =	vld [tilespmem:s16+$0xC0]  }
0xca: {  	v10 =	vadd.f32 v13, v10;
	v13 =	vmul.f32 v14, v14  }
0xcb: {  	v52 =	vmul.f32 v9, v9;
	v51 =	vmul.f32 v4, v4;
	v14 =	vld [tilespmem:s16+$0xE0]  }
0xcc: {  	v53 =	vmul.f32 v8, v8;
	v54 =	vmul.f32 v7, v7;
	v10 =	vadd.f32 v13, v10;
	v13 =	vld [tilespmem:s16+$0xF0]  }
0xcd: {  	v55 =	vmul.f32 v6, v6;
	v15 =	vmul.f32 v15, v15;
	v17 =	vadd.f32 v52, v36  }
0xce: {  	v56 =	vmul.f32 v5, v5;
	v8 =	vsub.f32 v8, v12;
	v9 =	vsub.f32 v9, v50  }
0xcf: {  	v16 =	vadd.f32 v51, v36;
	v10 =	vadd.f32 v15, v10;
	v11 =	vmul.f32 v50, v50  }
0xd0: {  	v7 =	vsub.f32 v7, v14;
	v4 =	vmul.f32 v9, v4;
	v6 =	vmul.f32 v8, v6  }
0xd1: {  	v57 =	vadd.f32 v53, v17;
	v58 =	vmul.f32 v12, v12;
	v59 =	vsub.f32 v2, v13  }
0xd2: {  	v10 =	vadd.f32 v11, v10;
	v5 =	vmul.f32 v7, v5;
	v4 =	vadd.f32 v6, v4  }
0xd3: {  	v60 =	vadd.f32 v55, v16;
	v61 =	vadd.f32 v54, v57;
	v62 =	vmul.f32 v14, v14  }
0xd4: {  	v9 =	vadd.f32 v58, v10;
	v4 =	vadd.f32 v5, v4;
	v5 =	vmul.f32 v59, v3  }
0xd5: {  	v2 =	vmul.f32 v2, v2;
	v63 =	vmul.f32 v13, v13;
	v6 =	vadd.f32 v56, v60  }
0xd6: {  	v3 =	vmul.f32 v3, v3;
	v8 =	vadd.f32 v62, v9;
	v4 =	vadd.f32 v5, v4  }
0xd7: {  	v2 =	vadd.f32 v2, v61  }
0xd8: {  	s20 =	simm.s32 $0xFFFFFFF9;
	v3 =	vadd.f32 v3, v6;
	v12 =	vadd.f32 v63, v8;
	(xrf2) =	vadd.scan.msk.f32 $0xffff, v4  }
.LBB2_2:
0xd9: {  	s16 =	sadd.s32 $0x200, s16  }
0xda: {  	s18 =	sadd.s32 $0x40, s18;
	s17 =	sadd.s32 $0x40, s17;
	s21 =	smov.u32 s20  }
0xdb: {  	p0 =	sne.s32 s20, $0x3E9;
	s20 =	sadd.s32 $0x8, s20;
	s19 =	sadd.s32 $0x7, s19  }
0xdc: {  	v4 =	vadd.s32 s19, v0;
	s19 =	smov.u32 s21  }
0xdd: {  	v4 =	vand.u32 $0xFFFFFFF8, v4  }
0xde: {  	v4 =	vor.u32 v1, v4;
	_ =	sdelay $0x3  }
0xdf: {  	v5, _, _ =	vpop (xrf2)  }
0xe0: {  	[tilespmem:v4+s1+$0x0] =	vst.idx.msk vm0, v5  }
0xe1: {  	v13 =	vld [tilespmem:s16+$0xFFFFFF30]  }
0xe2: {  	v4 =	vld [tilespmem:s17+$0xFFFFFFE0]  }
0xe3: {  	v14 =	vld [tilespmem:s16+$0xFFFFFF20]  }
0xe4: {  	v8 =	vld [tilespmem:s16+$0xFFFFFF10]  }
0xe5: {  	v10 =	vld [tilespmem:s18+$0xFFFFFFF0]  }
0xe6: {  	v15 =	vld [tilespmem:s16+$0xFFFFFF00]  }
0xe7: {  	v9 =	vld [tilespmem:s18+$0xFFFFFFE0];
	v16 =	vmul.f32 v4, v4  }
0xe8: {  	v11 =	vld [tilespmem:s18+$0x0]  }
0xe9: {  	v7 =	vld [tilespmem:s17+$0xFFFFFFF0]  }
0xea: {  	v17 =	vmul.f32 v14, v14;
	v6 =	vld [tilespmem:s18+$0x10];
	v18 =	vsub.f32 v10, v8  }
0xeb: {  	v3 =	vadd.f32 v16, v3;
	v16 =	vmul.f32 v10, v10;
	v5 =	vld [tilespmem:s17+$0x0];
	v19 =	vmul.f32 v15, v15  }
0xec: {  	v21 =	vmul.f32 v8, v8;
	v20 =	vmul.f32 v9, v9;
	v15 =	vsub.f32 v9, v15  }
0xed: {  	v8 =	vld [tilespmem:s17+$0x10];
	v22 =	vmul.f32 v11, v11;
	v12 =	vadd.f32 v19, v12;
	v14 =	vsub.f32 v11, v14  }
0xee: {  	v2 =	vadd.f32 v20, v2;
	v15 =	vmul.f32 v15, v4;
	v18 =	vmul.f32 v18, v7  }
0xef: {  	v19 =	vmul.f32 v7, v7;
	v12 =	vadd.f32 v21, v12;
	v20 =	vsub.f32 v6, v13  }
0xf0: {  	v21 =	vmul.f32 v5, v5;
	v15 =	vadd.f32 v18, v15;
	v14 =	vmul.f32 v14, v5  }
0xf1: {  	v13 =	vmul.f32 v13, v13;
	v2 =	vadd.f32 v16, v2;
	v12 =	vadd.f32 v17, v12  }
0xf2: {  	v3 =	vadd.f32 v19, v3;
	v14 =	vadd.f32 v14, v15;
	v15 =	vmul.f32 v20, v8  }
0xf3: {  	v16 =	vmul.f32 v6, v6;
	v2 =	vadd.f32 v22, v2;
	v12 =	vadd.f32 v13, v12  }
0xf4: {  	v3 =	vadd.f32 v21, v3;
	v13 =	vmul.f32 v8, v8;
	v14 =	vadd.f32 v15, v14  }
0xf5: {  	v2 =	vadd.f32 v16, v2  }
0xf6: {  	v3 =	vadd.f32 v13, v3;
	(xrf2) =	vadd.scan.msk.f32 $0xffff, v14;
	_ =	sdelay $0x5  }
0xf7: {  	v13 =	vadd.s32 s19, v0;
	_ =	sdelay $0x3  }
0xf8: {  	v14, _, _ =	vpop (xrf2)  }
0xf9: {  	[tilespmem:v13+s1+$0x0] =	vst.idx.msk vm0, v14  }
0xfa: {  	v13 =	vld [tilespmem:s16+$0xFFFFFF60]  }
0xfb: {  	v14 =	vld [tilespmem:s16+$0xFFFFFF40]  }
0xfc: {  	v15 =	vld [tilespmem:s16+$0xFFFFFF50];
	_ =	sdelay $0x2  }
0xfd: {  	v16 =	vsub.f32 v11, v13  }
0xfe: {  	v17 =	vld [tilespmem:s16+$0xFFFFFF70];
	v18 =	vmul.f32 v14, v14;
	v14 =	vsub.f32 v9, v14  }
0xff: {  	v19 =	vmul.f32 v15, v15;
	v15 =	vsub.f32 v10, v15  }
0x100: {  	v12 =	vadd.f32 v18, v12;
	v14 =	vmul.f32 v14, v4  }
0x101: {  	v16 =	vmul.f32 v16, v5;
	v15 =	vmul.f32 v15, v7  }
0x102: {  	v13 =	vmul.f32 v13, v13;
	v12 =	vadd.f32 v19, v12  }
0x103: {  	v18 =	vmul.f32 v17, v17;
	v14 =	vadd.f32 v15, v14;
	v15 =	vsub.f32 v6, v17  }
0x104: {  	v12 =	vadd.f32 v13, v12  }
0x105: {  	v13 =	vadd.f32 v16, v14;
	v14 =	vmul.f32 v15, v8  }
0x106: {  	v12 =	vadd.f32 v18, v12  }
0x107: {  	v13 =	vadd.f32 v14, v13;
	_ =	sdelay $0x1  }
0x108: {  	(xrf2) =	vadd.scan.msk.f32 $0xffff, v13;
	_ =	sdelay $0x4  }
0x109: {  	s21 =	sadd.s32 $0x1, s19  }
0x10a: {  	v13 =	vadd.s32 s21, v0;
	_ =	sdelay $0x3  }
0x10b: {  	v14, _, _ =	vpop (xrf2)  }
0x10c: {  	[tilespmem:v13+s1+$0x0] =	vst.idx.msk vm0, v14  }
0x10d: {  	v13 =	vld [tilespmem:s16+$0xFFFFFF80]  }
0x10e: {  	v14 =	vld [tilespmem:s16+$0xFFFFFF90];
	_ =	sdelay $0x1  }
0x10f: {  	v15 =	vld [tilespmem:s16+$0xFFFFFFA0];
	_ =	sdelay $0x1  }
0x110: {  	v16 =	vld [tilespmem:s16+$0xFFFFFFB0];
	v17 =	vmul.f32 v13, v13;
	v13 =	vsub.f32 v9, v13  }
0x111: {  	v18 =	vsub.f32 v10, v14  }
0x112: {  	v14 =	vmul.f32 v14, v14;
	v12 =	vadd.f32 v17, v12  }
0x113: {  	v13 =	vmul.f32 v13, v4;
	v17 =	vmul.f32 v18, v7;
	v18 =	vsub.f32 v11, v15  }
0x114: {  	v12 =	vadd.f32 v14, v12;
	v14 =	vmul.f32 v15, v15  }
0x115: {  	v13 =	vadd.f32 v17, v13;
	v15 =	vmul.f32 v18, v5;
	v17 =	vsub.f32 v6, v16  }
0x116: {  	v12 =	vadd.f32 v14, v12  }
0x117: {  	v13 =	vadd.f32 v15, v13;
	v14 =	vmul.f32 v17, v8;
	_ =	sdelay $0x1  }
0x118: {  	v13 =	vadd.f32 v14, v13;
	_ =	sdelay $0x1  }
0x119: {  	(xrf2) =	vadd.scan.msk.f32 $0xffff, v13;
	_ =	sdelay $0x4  }
0x11a: {  	s21 =	sadd.s32 $0x2, s19  }
0x11b: {  	v13 =	vadd.s32 s21, v0;
	_ =	sdelay $0x3  }
0x11c: {  	v14, _, _ =	vpop (xrf2)  }
0x11d: {  	[tilespmem:v13+s1+$0x0] =	vst.idx.msk vm0, v14  }
0x11e: {  	v13 =	vld [tilespmem:s16+$0xFFFFFFC0]  }
0x11f: {  	v14 =	vld [tilespmem:s16+$0xFFFFFFD0];
	_ =	sdelay $0x1  }
0x120: {  	v15 =	vmul.f32 v16, v16;
	v16 =	vld [tilespmem:s16+$0xFFFFFFE0];
	_ =	sdelay $0x1  }
0x121: {  	v12 =	vadd.f32 v15, v12;
	v15 =	vld [tilespmem:s16+$0xFFFFFFF0];
	v17 =	vmul.f32 v13, v13;
	v13 =	vsub.f32 v9, v13  }
0x122: {  	v18 =	vsub.f32 v10, v14  }
0x123: {  	v14 =	vmul.f32 v14, v14;
	v12 =	vadd.f32 v17, v12;
	v13 =	vmul.f32 v13, v4  }
0x124: {  	v17 =	vmul.f32 v18, v7;
	v18 =	vsub.f32 v11, v16  }
0x125: {  	v12 =	vadd.f32 v14, v12;
	v14 =	vmul.f32 v16, v16  }
0x126: {  	v13 =	vadd.f32 v17, v13;
	v16 =	vmul.f32 v18, v5;
	v17 =	vsub.f32 v6, v15  }
0x127: {  	v12 =	vadd.f32 v14, v12  }
0x128: {  	v13 =	vadd.f32 v16, v13;
	v14 =	vmul.f32 v17, v8;
	_ =	sdelay $0x1  }
0x129: {  	v13 =	vadd.f32 v14, v13;
	_ =	sdelay $0x1  }
0x12a: {  	(xrf2) =	vadd.scan.msk.f32 $0xffff, v13;
	_ =	sdelay $0x4  }
0x12b: {  	s21 =	sadd.s32 $0x3, s19  }
0x12c: {  	v13 =	vadd.s32 s21, v0;
	_ =	sdelay $0x3  }
0x12d: {  	v14, _, _ =	vpop (xrf2)  }
0x12e: {  	[tilespmem:v13+s1+$0x0] =	vst.idx.msk vm0, v14  }
0x12f: {  	v13 =	vld [tilespmem:s16+$0x0]  }
0x130: {  	v14 =	vld [tilespmem:s16+$0x10];
	_ =	sdelay $0x1  }
0x131: {  	v15 =	vmul.f32 v15, v15;
	v16 =	vld [tilespmem:s16+$0x20];
	_ =	sdelay $0x1  }
0x132: {  	v12 =	vadd.f32 v15, v12;
	v15 =	vld [tilespmem:s16+$0x30];
	v17 =	vmul.f32 v13, v13;
	v13 =	vsub.f32 v9, v13  }
0x133: {  	v18 =	vsub.f32 v10, v14  }
0x134: {  	v14 =	vmul.f32 v14, v14;
	v12 =	vadd.f32 v17, v12  }
0x135: {  	v13 =	vmul.f32 v13, v4;
	v17 =	vmul.f32 v18, v7;
	v18 =	vsub.f32 v11, v16  }
0x136: {  	v12 =	vadd.f32 v14, v12;
	v14 =	vmul.f32 v16, v16  }
0x137: {  	v13 =	vadd.f32 v17, v13;
	v16 =	vmul.f32 v18, v5;
	v17 =	vsub.f32 v6, v15  }
0x138: {  	v12 =	vadd.f32 v14, v12  }
0x139: {  	v13 =	vadd.f32 v16, v13;
	v14 =	vmul.f32 v17, v8;
	_ =	sdelay $0x1  }
0x13a: {  	v13 =	vadd.f32 v14, v13;
	_ =	sdelay $0x1  }
0x13b: {  	(xrf2) =	vadd.scan.msk.f32 $0xffff, v13;
	_ =	sdelay $0x4  }
0x13c: {  	s21 =	sadd.s32 $0x4, s19  }
0x13d: {  	v13 =	vadd.s32 s21, v0;
	_ =	sdelay $0x3  }
0x13e: {  	v14, _, _ =	vpop (xrf2)  }
0x13f: {  	[tilespmem:v13+s1+$0x0] =	vst.idx.msk vm0, v14  }
0x140: {  	v13 =	vld [tilespmem:s16+$0x40]  }
0x141: {  	v14 =	vld [tilespmem:s16+$0x60]  }
0x142: {  	v16 =	vld [tilespmem:s16+$0x50]  }
0x143: {  	v15 =	vmul.f32 v15, v15;
	v17 =	vld [tilespmem:s16+$0x70];
	_ =	sdelay $0x1  }
0x144: {  	v12 =	vadd.f32 v15, v12;
	v15 =	vmul.f32 v13, v13;
	v13 =	vsub.f32 v9, v13  }
0x145: {  	v18 =	vsub.f32 v11, v14  }
0x146: {  	v12 =	vadd.f32 v15, v12;
	v13 =	vmul.f32 v13, v4;
	v15 =	vsub.f32 v10, v16  }
0x147: {  	v16 =	vmul.f32 v16, v16;
	v19 =	vsub.f32 v6, v17  }
0x148: {  	v15 =	vmul.f32 v15, v7  }
0x149: {  	v14 =	vmul.f32 v14, v14;
	v12 =	vadd.f32 v16, v12  }
0x14a: {  	v13 =	vadd.f32 v15, v13;
	v15 =	vmul.f32 v18, v5  }
0x14b: {  	v12 =	vadd.f32 v14, v12  }
0x14c: {  	v14 =	vmul.f32 v19, v8;
	v13 =	vadd.f32 v15, v13;
	_ =	sdelay $0x1  }
0x14d: {  	v13 =	vadd.f32 v14, v13;
	_ =	sdelay $0x1  }
0x14e: {  	(xrf2) =	vadd.scan.msk.f32 $0xffff, v13;
	_ =	sdelay $0x4  }
0x14f: {  	s21 =	sadd.s32 $0x5, s19  }
0x150: {  	v13 =	vadd.s32 s21, v0;
	_ =	sdelay $0x3  }
0x151: {  	v14, _, _ =	vpop (xrf2)  }
0x152: {  	[tilespmem:v13+s1+$0x0] =	vst.idx.msk vm0, v14  }
0x153: {  	v13 =	vld [tilespmem:s16+$0x80]  }
0x154: {  	v14 =	vld [tilespmem:s16+$0x90]  }
0x155: {  	v15 =	vld [tilespmem:s16+$0xA0]  }
0x156: {  	v16 =	vmul.f32 v17, v17;
	v17 =	vld [tilespmem:s16+$0xB0];
	_ =	sdelay $0x1  }
0x157: {  	v12 =	vadd.f32 v16, v12;
	v16 =	vmul.f32 v13, v13;
	v13 =	vsub.f32 v9, v13  }
0x158: {  	v18 =	vmul.f32 v14, v14;
	v14 =	vsub.f32 v10, v14  }
0x159: {  	v12 =	vadd.f32 v16, v12;
	v13 =	vmul.f32 v13, v4;
	v16 =	vsub.f32 v11, v15  }
0x15a: {  	v14 =	vmul.f32 v14, v7;
	v19 =	vsub.f32 v6, v17  }
0x15b: {  	v15 =	vmul.f32 v15, v15;
	v12 =	vadd.f32 v18, v12  }
0x15c: {  	v13 =	vadd.f32 v14, v13;
	v14 =	vmul.f32 v16, v5  }
0x15d: {  	v12 =	vadd.f32 v15, v12  }
0x15e: {  	v13 =	vadd.f32 v14, v13;
	v14 =	vmul.f32 v19, v8;
	_ =	sdelay $0x1  }
0x15f: {  	v13 =	vadd.f32 v14, v13;
	_ =	sdelay $0x1  }
0x160: {  	(xrf2) =	vadd.scan.msk.f32 $0xffff, v13;
	_ =	sdelay $0x4  }
0x161: {  	s21 =	sadd.s32 $0x6, s19  }
0x162: {  	v13 =	vadd.s32 s21, v0;
	_ =	sdelay $0x3  }
0x163: {  	v14, _, _ =	vpop (xrf2)  }
0x164: {  	[tilespmem:v13+s1+$0x0] =	vst.idx.msk vm0, v14  }
0x165: {  	v13 =	vld [tilespmem:s16+$0xD0]  }
0x166: {  	v14 =	vld [tilespmem:s16+$0xC0]  }
0x167: {  	v15 =	vld [tilespmem:s16+$0xE0]  }
0x168: {  	v16 =	vld [tilespmem:s16+$0xF0]  }
0x169: {  	v17 =	vmul.f32 v17, v17  }
0x16a: {  	v10 =	vsub.f32 v10, v13  }
0x16b: {  	v12 =	vadd.f32 v17, v12;
	v17 =	vmul.f32 v14, v14;
	v9 =	vsub.f32 v9, v14  }
0x16c: {  	v13 =	vmul.f32 v13, v13;
	v11 =	vsub.f32 v11, v15  }
0x16d: {  	v7 =	vmul.f32 v10, v7;
	v12 =	vadd.f32 v17, v12;
	v4 =	vmul.f32 v9, v4  }
0x16e: {  	v9 =	vmul.f32 v15, v15;
	v6 =	vsub.f32 v6, v16  }
0x16f: {  	v5 =	vmul.f32 v11, v5;
	v10 =	vadd.f32 v13, v12;
	v4 =	vadd.f32 v7, v4  }
0x170: {  	v7 =	vmul.f32 v16, v16  }
.Ltmp0:
0x171: {  	v9 =	vadd.f32 v9, v10;
	v4 =	vadd.f32 v5, v4;
	v5 =	vmul.f32 v6, v8;
	(pc) =	sbr.rel @p0 .LBB2_2-.Ltmp0, $3  }
0x172: {  	_ = 	snop  }
0x173: {  	v12 =	vadd.f32 v7, v9;
	v4 =	vadd.f32 v5, v4;
	_ =	sdelay $0x1  }
0x174: {  	(xrf2) =	vadd.scan.msk.f32 $0xffff, v4  }
0x175: {  	_ =	sdelay $0x1  }
0x176: {  	s16 =	sadd.s32 $0x7, s19  }
0x177: {  	v4 =	vadd.s32 s16, v0  }
0x178: {  	v4 =	vand.u32 $0xFFFFFFF8, v4  }
0x179: {  	v4 =	vor.u32 v1, v4;
	_ =	sdelay $0x3  }
0x17a: {  	v5, _, _ =	vpop (xrf2)  }
0x17b: {  	[tilespmem:v4+s1+$0x0] =	vst.idx.msk vm0, v5  }
0x17c: {  	[tilespmem:$0x14900] =	vst v3;
	v3 =	vmul.f32 $1.250000000e-01, v12  }
0x17d: {  	[tilespmem:$0x14910] =	vst v2  }
0x17e: {  	[tilespmem:$0x14920] =	vst v3  }
0x17f: {  	[hbm4b:s8+s2] =	stream.linear.scatter [tilespmem:s1], [sflag:$0x2], $0x400, $0x38;
	[tilespmem:$0x14930] =	vst v63  }
0x180: {  	s15 =	sadd.s32 $0x1, s15;
	_ =	swait.ge [sflag:s11], $0x400  }
0x181: {  	p0 =	sne.s32 s15, s10;
	[sflag:s11] =	ssyncset.done $0x0  }
.Ltmp1:
0x182: {  	[sflag:s11] =	ssyncadd.s32 $0xFFFFFC00;
	(pc) =	sbr.rel @p0 .LBB2_1-.Ltmp1, $4  }
0x183: {  	[hbm4b:s9+s2] =	stream.linear.scatter [tilespmem:s14], [sflag:$0x2], $0x30, $0x38;
	[tilespmem:$0x14930] =	vst v63  }
0x184: {  	_ =	swait.ge [sflag:s11], $0x30  }
0x185: {  	[sflag:s11] =	ssyncset.done $0x0  }
0x186: {  	[sflag:s11] =	ssyncadd.s32 $0xFFFFFFD0  }
0x187: {  	_ =	sfence.sel $0x180000  }
0x188: {  	[bflag:$0x0] =	sbarrier.arrive $0xFFFF  }
0x189: {  	_ =	strace $0x90000047  }
0x18a: {  	s0 =	stileid.u32;
	[bflag:$0x2] =	sbarrier.arrive $0xFFFF  }
0x18b: {  	p0 =	sne.s32 s0, $0x0;
	s0 =	rddreg [dreg:$0x4]  }
0x18c: {  	s0 =	sadd.s32 @!p0 $0x100000, s0  }
0x18d: {  	[sflag:s0] =	ssyncadd.tile.s32 @!p0 $0x1;
	_ =	shalt  }
.Lfunc_end2:
_tile_overlayer_lowered:
.L_overlay_start_2:
0x18e: {  	(tag) =	ssettag $0x2  }
0x18f: {  	s0 =	rddreg [dreg:$0x0];
	s2 =	stileid.u32  }
0x190: {  	s1 =	rddreg [dreg:$0x1];
	p0 =	sne.s32 s2, $0x0  }
0x191: {  	s3 =	rddreg [dreg:$0x2];
	[bflag:$0x3] =	sbarrier.arrive $0xFFFF;
	s2 =	simm.s32 @!p0 $0x1C02  }
0x192: {  	[timem:s3], [sflag:s2] =	dma.local @!p0 [hbm:s0], s1  }
0x193: {  	s0 =	simm.s32 @!p0 $0x2  }
0x194: {  	_ =	swait.ge @!p0 [sflag:s0], s1  }
0x195: {  	s1 =	ssub.s32 @!p0 $0x0, s1;
	[sflag:s0] =	ssyncset.done @!p0 $0x0  }
0x196: {  	[sflag:s0] =	ssyncadd.s32 @!p0 s1  }
0x197: {  	[bflag:$0x3] =	sbarrier.arrive $0xFFFF  }
0x198: {  	_ =	shalt  }

</sc_bundles>
